<compile_context>
chip_gen: v7x
topology: tpu7x:2x2x1
jax: 0.10.2.dev20260603
libtpu: 0.0.44.dev20260713+nightly
codegen_flags: <defaults>
</compile_context>

<pallas_src>
import functools
import jax
import jax.numpy as jnp
from jax import lax
from jax.experimental import pallas as pl
from jax.experimental.pallas import tpu as pltpu
from jax.experimental.pallas import tpu_sc as plsc

VOCAB = 100000
EMBED_DIM = 64
BATCH = 4096
SEQ = 200

PAD_DIM = 128
TOT = BATCH * SEQ
NW = 32
IDX_W = 128

N_SPLIT = 1
H = TOT // N_SPLIT
PER_W = H // NW
IDX_ROWS = PER_W // IDX_W
CHUNK = 640
K = CHUNK // IDX_W
NCH = PER_W // CHUNK
NBUF = 2

R_BLK = 4096
NB = H // R_BLK

_mesh = plsc.VectorSubcoreMesh(core_axis_name="c", subcore_axis_name="s")


@functools.partial(
    pl.kernel,
    mesh=_mesh,
    out_type=jax.ShapeDtypeStruct((H, PAD_DIM), jnp.float32),
    compiler_params=pltpu.CompilerParams(use_tc_tiling_on_sc=False),
    scratch_types=[
        pltpu.VMEM((IDX_ROWS, IDX_W), jnp.int32),
        pltpu.VMEM((NBUF, CHUNK, EMBED_DIM), jnp.float32),
        pltpu.SemaphoreType.DMA,
        pltpu.SemaphoreType.DMA,
        pltpu.SemaphoreType.DMA,
    ],
)
def _embed_gather(table_hbm, idx_hbm, out_hbm, idx_all, rows_v, sem_g,
                  sem_w0, sem_w1):
    wid = lax.axis_index("s") * 2 + lax.axis_index("c")
    row0 = wid * PER_W
    sem_w = (sem_w0, sem_w1)

    pltpu.sync_copy(idx_hbm.at[pl.ds(wid * IDX_ROWS, IDX_ROWS)], idx_all)

    def do_chunk(c, b):
        buf = rows_v.at[b]
        for j in range(K):
            pltpu.async_copy(
                table_hbm.at[idx_all.at[c * K + j]],
                buf.at[pl.ds(j * IDX_W, IDX_W)],
                sem_g,
            )
        for j in range(K):
            pltpu.make_async_copy(
                table_hbm.at[idx_all.at[c * K + j]],
                buf.at[pl.ds(j * IDX_W, IDX_W)],
                sem_g,
            ).wait()
        pltpu.async_copy(
            buf,
            out_hbm.at[pl.ds(row0 + c * CHUNK, CHUNK), pl.ds(0, EMBED_DIM)],
            sem_w[b])

    def wait_write(c, b):
        pltpu.make_async_copy(
            rows_v.at[b],
            out_hbm.at[pl.ds(row0 + c * CHUNK, CHUNK), pl.ds(0, EMBED_DIM)],
            sem_w[b],
        ).wait()

    for b in range(NBUF):
        do_chunk(b, b)

    @pl.loop(NBUF, NCH, step=NBUF)
    def _(cc):
        for b in range(NBUF):
            wait_write(cc + b - NBUF, b)
            do_chunk(cc + b, b)

    for b in range(NBUF):
        wait_write(NCH - NBUF + b, b)


def _compact_first(o_ref, out_ref):
    out_ref[...] = o_ref[:, :EMBED_DIM]


def _compact_chain(o_ref, prev_ref, out_ref):
    del prev_ref
    out_ref[...] = o_ref[:, :EMBED_DIM]


def _compact(piece, o, prev):
    base = piece * NB
    out_spec = pl.BlockSpec((R_BLK, EMBED_DIM), lambda i, base=base: (i + base, 0))
    in_spec = pl.BlockSpec((R_BLK, PAD_DIM), lambda i: (i, 0))
    if piece == 0:
        return pl.pallas_call(
            _compact_first,
            grid=(NB,),
            in_specs=[in_spec],
            out_specs=out_spec,
            out_shape=jax.ShapeDtypeStruct((TOT, EMBED_DIM), jnp.float32),
        )(o)
    return pl.pallas_call(
        _compact_chain,
        grid=(NB,),
        in_specs=[in_spec, pl.BlockSpec(memory_space=pl.ANY)],
        out_specs=out_spec,
        out_shape=jax.ShapeDtypeStruct((TOT, EMBED_DIM), jnp.float32),
        input_output_aliases={1: 0},
    )(o, prev)


def kernel(input, input_lengths, table):
    idx = jnp.asarray(input, jnp.int32).reshape(TOT // IDX_W, IDX_W)
    acc = None
    for p in range(N_SPLIT):
        rows = H // IDX_W
        o = _embed_gather(table, lax.slice(idx, (p * rows, 0),
                                           ((p + 1) * rows, IDX_W)))
        acc = _compact(p, o, acc)
    return (acc.reshape(BATCH, SEQ, EMBED_DIM), input_lengths)

# --- scband reference (transcript-rebuilt; emitter-appended) ---
"""Pipeline reference for scband-embedding-frontend-55439437857575 (READ-ONLY COPY).

The authoritative reference and input builder live on the scoring server;
editing this copy changes nothing except your own understanding.
"""

import jax, jax.numpy as jnp
import numpy as np

VOCAB = 100000
EMBED_DIM = 64
BATCH = 4096
SEQ = 200

def setup_inputs(seed: int = 0) -> dict:
    key = jax.random.key(seed)
    k1, k2, k3 = jax.random.split(key, 3)
    inp = jax.random.randint(k1, (BATCH, SEQ), 0, VOCAB, dtype=jnp.int64)
    input_lengths = jax.random.randint(k2, (BATCH,), 0, SEQ, dtype=jnp.int32)
    table = jax.random.normal(k3, (VOCAB, EMBED_DIM), dtype=jnp.float32)
    return {"input": inp, "input_lengths": input_lengths, "table": table}

def reference(input, input_lengths, table):
    # EmbeddingFrontend with positional_enc_type='none':
    # embed = Sequential(Embedding(input_size, embed_dim)); forward returns (embed(input), input_lengths)
    x = jnp.take(table, input, axis=0)
    return (x, input_lengths)

if __name__ == "__main__":
    import jax
    _d = setup_inputs()
    print(jax.jit(kernel)(*tuple(_d.values())))

</pallas_src>

<mosaic_0001>
#map = affine_map<(d0, d1) -> (0, 0)>
module attributes {stable_mosaic.version = 14 : i64} {
  func.func @_embed_gather(%arg0: i32, %arg1: i32, %arg2: memref<100000x64xf32, #tpu.memory_space<hbm>>, %arg3: memref<6400x128xi32, #tpu.memory_space<hbm>>, %arg4: memref<819200x128xf32, #tpu.memory_space<hbm>>, %arg5: memref<200x128xi32, #tpu.memory_space<vmem>>, %arg6: memref<2x640x64xf32, #tpu.memory_space<vmem>>, %arg7: memref<!tpu.dma_semaphore, #tpu.memory_space<semaphore_mem>>, %arg8: memref<!tpu.dma_semaphore, #tpu.memory_space<semaphore_mem>>, %arg9: memref<!tpu.dma_semaphore, #tpu.memory_space<semaphore_mem>>) attributes {dimension_semantics = [#tpu.dimension_semantics<core_parallel>, #tpu.dimension_semantics<subcore_parallel>], iteration_bounds = array<i64: 2, 16>, scalar_prefetch = 0 : i64, scratch_operands = 5 : i64, tpu.core_type = #tpu.core_type<sc_vector_subcore>, window_params = [{transform_indices = #map}, {transform_indices = #map}, {transform_indices = #map}]} {
    %mul3A = arith.constant 2 : i32
    %mul3A_0 = arith.muli %arg1, %mul3A : i32
    %add3A = arith.addi %mul3A_0, %arg0 : i32
    %mul3A_1 = arith.constant 25600 : i32
    %mul3A_2 = arith.muli %add3A, %mul3A_1 : i32
    %mul3A_3 = arith.constant 200 : i32
    %mul3A_4 = arith.muli %add3A, %mul3A_3 : i32
    "tpu.region"() ({
      %run_scoped3A = tpu.sem_alloc : memref<!tpu.dma_semaphore, #tpu.memory_space<semaphore_mem>>
      %dma_start3A_367 = arith.constant 0 : i32
      %dma_start3A_368 = tpu.memref_slice %arg3[%mul3A_4, %dma_start3A_367] : memref<6400x128xi32, #tpu.memory_space<hbm>> -> memref<200x128xi32, #tpu.memory_space<hbm>>
      %dma_start3A_369 = arith.constant 0 : i32
      %dma_start3A_370 = tpu.memref_slice %arg3[%mul3A_4, %dma_start3A_369] : memref<6400x128xi32, #tpu.memory_space<hbm>> -> memref<200x128xi32, #tpu.memory_space<hbm>>
      tpu.enqueue_dma source(%dma_start3A_370 : memref<200x128xi32, #tpu.memory_space<hbm>>) target(%arg5 : memref<200x128xi32, #tpu.memory_space<vmem>>) target_semaphore(%run_scoped3A : memref<!tpu.dma_semaphore, #tpu.memory_space<semaphore_mem>>)
      %dma_wait3A_371 = arith.constant 0 : i32
      %dma_wait3A_372 = tpu.memref_slice %arg3[%mul3A_4, %dma_wait3A_371] : memref<6400x128xi32, #tpu.memory_space<hbm>> -> memref<200x128xi32, #tpu.memory_space<hbm>>
      %dma_wait3A_373 = arith.constant 0 : i32
      %dma_wait3A_374 = tpu.memref_slice %arg3[%mul3A_4, %dma_wait3A_373] : memref<6400x128xi32, #tpu.memory_space<hbm>> -> memref<200x128xi32, #tpu.memory_space<hbm>>
      tpu.wait_dma2 semaphore(%run_scoped3A : memref<!tpu.dma_semaphore, #tpu.memory_space<semaphore_mem>>) src(%dma_wait3A_374 : memref<200x128xi32, #tpu.memory_space<hbm>>) dst(%arg5 : memref<200x128xi32, #tpu.memory_space<vmem>>)
      tpu.yield
    }) : () -> ()
    %dma_start3A = arith.constant 0 : i32
    %dma_start3A_5 = arith.constant 0 : i32
    %dma_start3A_6 = arith.constant 0 : i32
    %dma_start3A_7 = arith.constant 0 : i32
    %dma_start3A_8 = tpu.memref_slice %arg6[%dma_start3A_5, %dma_start3A_6, %dma_start3A_7] : memref<2x640x64xf32, #tpu.memory_space<vmem>> -> memref<1x640x64xf32, #tpu.memory_space<vmem>>
    %dma_start3A_9 = tpu.memref_squeeze %dma_start3A_8 : memref<1x640x64xf32, #tpu.memory_space<vmem>> -> memref<640x64xf32, #tpu.memory_space<vmem>>
    %dma_start3A_10 = arith.constant 0 : i32
    %dma_start3A_11 = arith.constant 0 : i32
    %dma_start3A_12 = tpu.memref_slice %dma_start3A_9[%dma_start3A_10, %dma_start3A_11] : memref<640x64xf32, #tpu.memory_space<vmem>> -> memref<128x64xf32, #tpu.memory_space<vmem>>
    %dma_start3A_13 = arith.constant 0 : i32
    %dma_start3A_14 = tpu.memref_slice %arg5[%dma_start3A, %dma_start3A_13] : memref<200x128xi32, #tpu.memory_space<vmem>> -> memref<1x128xi32, #tpu.memory_space<vmem>>
    %dma_start3A_15 = tpu.memref_squeeze %dma_start3A_14 : memref<1x128xi32, #tpu.memory_space<vmem>> -> memref<128xi32, #tpu.memory_space<vmem>>
    %dma_start3A_16 = arith.constant 0 : i32
    %dma_start3A_17 = arith.constant 0 : i32
    %dma_start3A_18 = tpu.memref_slice %arg2[%dma_start3A_16, %dma_start3A_17] : memref<100000x64xf32, #tpu.memory_space<hbm>> -> memref<100000x64xf32, #tpu.memory_space<hbm>>
    tpu.enqueue_indirect_dma source(%dma_start3A_18 : memref<100000x64xf32, #tpu.memory_space<hbm>>) target(%dma_start3A_12 : memref<128x64xf32, #tpu.memory_space<vmem>>) offsets(%dma_start3A_15 : memref<128xi32, #tpu.memory_space<vmem>>) semaphore(%arg7 : memref<!tpu.dma_semaphore, #tpu.memory_space<semaphore_mem>>)
    %dma_start3A_19 = arith.constant 1 : i32
    %dma_start3A_20 = arith.constant 0 : i32
    %dma_start3A_21 = arith.constant 0 : i32
    %dma_start3A_22 = arith.constant 0 : i32
    %dma_start3A_23 = tpu.memref_slice %arg6[%dma_start3A_20, %dma_start3A_21, %dma_start3A_22] : memref<2x640x64xf32, #tpu.memory_space<vmem>> -> memref<1x640x64xf32, #tpu.memory_space<vmem>>
    %dma_start3A_24 = tpu.memref_squeeze %dma_start3A_23 : memref<1x640x64xf32, #tpu.memory_space<vmem>> -> memref<640x64xf32, #tpu.memory_space<vmem>>
    %dma_start3A_25 = arith.constant 128 : i32
    %dma_start3A_26 = arith.constant 0 : i32
    %dma_start3A_27 = tpu.memref_slice %dma_start3A_24[%dma_start3A_25, %dma_start3A_26] : memref<640x64xf32, #tpu.memory_space<vmem>> -> memref<128x64xf32, #tpu.memory_space<vmem>>
    %dma_start3A_28 = arith.constant 0 : i32
    %dma_start3A_29 = tpu.memref_slice %arg5[%dma_start3A_19, %dma_start3A_28] : memref<200x128xi32, #tpu.memory_space<vmem>> -> memref<1x128xi32, #tpu.memory_space<vmem>>
    %dma_start3A_30 = tpu.memref_squeeze %dma_start3A_29 : memref<1x128xi32, #tpu.memory_space<vmem>> -> memref<128xi32, #tpu.memory_space<vmem>>
    %dma_start3A_31 = arith.constant 0 : i32
    %dma_start3A_32 = arith.constant 0 : i32
    %dma_start3A_33 = tpu.memref_slice %arg2[%dma_start3A_31, %dma_start3A_32] : memref<100000x64xf32, #tpu.memory_space<hbm>> -> memref<100000x64xf32, #tpu.memory_space<hbm>>
    tpu.enqueue_indirect_dma source(%dma_start3A_33 : memref<100000x64xf32, #tpu.memory_space<hbm>>) target(%dma_start3A_27 : memref<128x64xf32, #tpu.memory_space<vmem>>) offsets(%dma_start3A_30 : memref<128xi32, #tpu.memory_space<vmem>>) semaphore(%arg7 : memref<!tpu.dma_semaphore, #tpu.memory_space<semaphore_mem>>)
    %dma_start3A_34 = arith.constant 2 : i32
    %dma_start3A_35 = arith.constant 0 : i32
    %dma_start3A_36 = arith.constant 0 : i32
    %dma_start3A_37 = arith.constant 0 : i32
    %dma_start3A_38 = tpu.memref_slice %arg6[%dma_start3A_35, %dma_start3A_36, %dma_start3A_37] : memref<2x640x64xf32, #tpu.memory_space<vmem>> -> memref<1x640x64xf32, #tpu.memory_space<vmem>>
    %dma_start3A_39 = tpu.memref_squeeze %dma_start3A_38 : memref<1x640x64xf32, #tpu.memory_space<vmem>> -> memref<640x64xf32, #tpu.memory_space<vmem>>
    %dma_start3A_40 = arith.constant 256 : i32
    %dma_start3A_41 = arith.constant 0 : i32
    %dma_start3A_42 = tpu.memref_slice %dma_start3A_39[%dma_start3A_40, %dma_start3A_41] : memref<640x64xf32, #tpu.memory_space<vmem>> -> memref<128x64xf32, #tpu.memory_space<vmem>>
    %dma_start3A_43 = arith.constant 0 : i32
    %dma_start3A_44 = tpu.memref_slice %arg5[%dma_start3A_34, %dma_start3A_43] : memref<200x128xi32, #tpu.memory_space<vmem>> -> memref<1x128xi32, #tpu.memory_space<vmem>>
    %dma_start3A_45 = tpu.memref_squeeze %dma_start3A_44 : memref<1x128xi32, #tpu.memory_space<vmem>> -> memref<128xi32, #tpu.memory_space<vmem>>
    %dma_start3A_46 = arith.constant 0 : i32
    %dma_start3A_47 = arith.constant 0 : i32
    %dma_start3A_48 = tpu.memref_slice %arg2[%dma_start3A_46, %dma_start3A_47] : memref<100000x64xf32, #tpu.memory_space<hbm>> -> memref<100000x64xf32, #tpu.memory_space<hbm>>
    tpu.enqueue_indirect_dma source(%dma_start3A_48 : memref<100000x64xf32, #tpu.memory_space<hbm>>) target(%dma_start3A_42 : memref<128x64xf32, #tpu.memory_space<vmem>>) offsets(%dma_start3A_45 : memref<128xi32, #tpu.memory_space<vmem>>) semaphore(%arg7 : memref<!tpu.dma_semaphore, #tpu.memory_space<semaphore_mem>>)
    %dma_start3A_49 = arith.constant 3 : i32
    %dma_start3A_50 = arith.constant 0 : i32
    %dma_start3A_51 = arith.constant 0 : i32
    %dma_start3A_52 = arith.constant 0 : i32
    %dma_start3A_53 = tpu.memref_slice %arg6[%dma_start3A_50, %dma_start3A_51, %dma_start3A_52] : memref<2x640x64xf32, #tpu.memory_space<vmem>> -> memref<1x640x64xf32, #tpu.memory_space<vmem>>
    %dma_start3A_54 = tpu.memref_squeeze %dma_start3A_53 : memref<1x640x64xf32, #tpu.memory_space<vmem>> -> memref<640x64xf32, #tpu.memory_space<vmem>>
    %dma_start3A_55 = arith.constant 384 : i32
    %dma_start3A_56 = arith.constant 0 : i32
    %dma_start3A_57 = tpu.memref_slice %dma_start3A_54[%dma_start3A_55, %dma_start3A_56] : memref<640x64xf32, #tpu.memory_space<vmem>> -> memref<128x64xf32, #tpu.memory_space<vmem>>
    %dma_start3A_58 = arith.constant 0 : i32
    %dma_start3A_59 = tpu.memref_slice %arg5[%dma_start3A_49, %dma_start3A_58] : memref<200x128xi32, #tpu.memory_space<vmem>> -> memref<1x128xi32, #tpu.memory_space<vmem>>
    %dma_start3A_60 = tpu.memref_squeeze %dma_start3A_59 : memref<1x128xi32, #tpu.memory_space<vmem>> -> memref<128xi32, #tpu.memory_space<vmem>>
    %dma_start3A_61 = arith.constant 0 : i32
    %dma_start3A_62 = arith.constant 0 : i32
    %dma_start3A_63 = tpu.memref_slice %arg2[%dma_start3A_61, %dma_start3A_62] : memref<100000x64xf32, #tpu.memory_space<hbm>> -> memref<100000x64xf32, #tpu.memory_space<hbm>>
    tpu.enqueue_indirect_dma source(%dma_start3A_63 : memref<100000x64xf32, #tpu.memory_space<hbm>>) target(%dma_start3A_57 : memref<128x64xf32, #tpu.memory_space<vmem>>) offsets(%dma_start3A_60 : memref<128xi32, #tpu.memory_space<vmem>>) semaphore(%arg7 : memref<!tpu.dma_semaphore, #tpu.memory_space<semaphore_mem>>)
    %dma_start3A_64 = arith.constant 4 : i32
    %dma_start3A_65 = arith.constant 0 : i32
    %dma_start3A_66 = arith.constant 0 : i32
    %dma_start3A_67 = arith.constant 0 : i32
    %dma_start3A_68 = tpu.memref_slice %arg6[%dma_start3A_65, %dma_start3A_66, %dma_start3A_67] : memref<2x640x64xf32, #tpu.memory_space<vmem>> -> memref<1x640x64xf32, #tpu.memory_space<vmem>>
    %dma_start3A_69 = tpu.memref_squeeze %dma_start3A_68 : memref<1x640x64xf32, #tpu.memory_space<vmem>> -> memref<640x64xf32, #tpu.memory_space<vmem>>
    %dma_start3A_70 = arith.constant 512 : i32
    %dma_start3A_71 = arith.constant 0 : i32
    %dma_start3A_72 = tpu.memref_slice %dma_start3A_69[%dma_start3A_70, %dma_start3A_71] : memref<640x64xf32, #tpu.memory_space<vmem>> -> memref<128x64xf32, #tpu.memory_space<vmem>>
    %dma_start3A_73 = arith.constant 0 : i32
    %dma_start3A_74 = tpu.memref_slice %arg5[%dma_start3A_64, %dma_start3A_73] : memref<200x128xi32, #tpu.memory_space<vmem>> -> memref<1x128xi32, #tpu.memory_space<vmem>>
    %dma_start3A_75 = tpu.memref_squeeze %dma_start3A_74 : memref<1x128xi32, #tpu.memory_space<vmem>> -> memref<128xi32, #tpu.memory_space<vmem>>
    %dma_start3A_76 = arith.constant 0 : i32
    %dma_start3A_77 = arith.constant 0 : i32
    %dma_start3A_78 = tpu.memref_slice %arg2[%dma_start3A_76, %dma_start3A_77] : memref<100000x64xf32, #tpu.memory_space<hbm>> -> memref<100000x64xf32, #tpu.memory_space<hbm>>
    tpu.enqueue_indirect_dma source(%dma_start3A_78 : memref<100000x64xf32, #tpu.memory_space<hbm>>) target(%dma_start3A_72 : memref<128x64xf32, #tpu.memory_space<vmem>>) offsets(%dma_start3A_75 : memref<128xi32, #tpu.memory_space<vmem>>) semaphore(%arg7 : memref<!tpu.dma_semaphore, #tpu.memory_space<semaphore_mem>>)
    %dma_wait3A = arith.constant 0 : i32
    %dma_wait3A_79 = arith.constant 0 : i32
    %dma_wait3A_80 = arith.constant 0 : i32
    %dma_wait3A_81 = arith.constant 0 : i32
    %dma_wait3A_82 = tpu.memref_slice %arg6[%dma_wait3A_79, %dma_wait3A_80, %dma_wait3A_81] : memref<2x640x64xf32, #tpu.memory_space<vmem>> -> memref<1x640x64xf32, #tpu.memory_space<vmem>>
    %dma_wait3A_83 = tpu.memref_squeeze %dma_wait3A_82 : memref<1x640x64xf32, #tpu.memory_space<vmem>> -> memref<640x64xf32, #tpu.memory_space<vmem>>
    %dma_wait3A_84 = arith.constant 0 : i32
    %dma_wait3A_85 = arith.constant 0 : i32
    %dma_wait3A_86 = tpu.memref_slice %dma_wait3A_83[%dma_wait3A_84, %dma_wait3A_85] : memref<640x64xf32, #tpu.memory_space<vmem>> -> memref<128x64xf32, #tpu.memory_space<vmem>>
    %dma_wait3A_87 = arith.constant 0 : i32
    %dma_wait3A_88 = tpu.memref_slice %arg5[%dma_wait3A, %dma_wait3A_87] : memref<200x128xi32, #tpu.memory_space<vmem>> -> memref<1x128xi32, #tpu.memory_space<vmem>>
    %dma_wait3A_89 = tpu.memref_squeeze %dma_wait3A_88 : memref<1x128xi32, #tpu.memory_space<vmem>> -> memref<128xi32, #tpu.memory_space<vmem>>
    %dma_wait3A_90 = arith.constant 0 : i32
    %dma_wait3A_91 = arith.constant 0 : i32
    %dma_wait3A_92 = tpu.memref_slice %arg2[%dma_wait3A_90, %dma_wait3A_91] : memref<100000x64xf32, #tpu.memory_space<hbm>> -> memref<100000x64xf32, #tpu.memory_space<hbm>>
    tpu.wait_indirect_dma semaphore(%arg7 : memref<!tpu.dma_semaphore, #tpu.memory_space<semaphore_mem>>) src(%dma_wait3A_92 : memref<100000x64xf32, #tpu.memory_space<hbm>>) dst(%dma_wait3A_86 : memref<128x64xf32, #tpu.memory_space<vmem>>)
    %dma_wait3A_93 = arith.constant 1 : i32
    %dma_wait3A_94 = arith.constant 0 : i32
    %dma_wait3A_95 = arith.constant 0 : i32
    %dma_wait3A_96 = arith.constant 0 : i32
    %dma_wait3A_97 = tpu.memref_slice %arg6[%dma_wait3A_94, %dma_wait3A_95, %dma_wait3A_96] : memref<2x640x64xf32, #tpu.memory_space<vmem>> -> memref<1x640x64xf32, #tpu.memory_space<vmem>>
    %dma_wait3A_98 = tpu.memref_squeeze %dma_wait3A_97 : memref<1x640x64xf32, #tpu.memory_space<vmem>> -> memref<640x64xf32, #tpu.memory_space<vmem>>
    %dma_wait3A_99 = arith.constant 128 : i32
    %dma_wait3A_100 = arith.constant 0 : i32
    %dma_wait3A_101 = tpu.memref_slice %dma_wait3A_98[%dma_wait3A_99, %dma_wait3A_100] : memref<640x64xf32, #tpu.memory_space<vmem>> -> memref<128x64xf32, #tpu.memory_space<vmem>>
    %dma_wait3A_102 = arith.constant 0 : i32
    %dma_wait3A_103 = tpu.memref_slice %arg5[%dma_wait3A_93, %dma_wait3A_102] : memref<200x128xi32, #tpu.memory_space<vmem>> -> memref<1x128xi32, #tpu.memory_space<vmem>>
    %dma_wait3A_104 = tpu.memref_squeeze %dma_wait3A_103 : memref<1x128xi32, #tpu.memory_space<vmem>> -> memref<128xi32, #tpu.memory_space<vmem>>
    %dma_wait3A_105 = arith.constant 0 : i32
    %dma_wait3A_106 = arith.constant 0 : i32
    %dma_wait3A_107 = tpu.memref_slice %arg2[%dma_wait3A_105, %dma_wait3A_106] : memref<100000x64xf32, #tpu.memory_space<hbm>> -> memref<100000x64xf32, #tpu.memory_space<hbm>>
    tpu.wait_indirect_dma semaphore(%arg7 : memref<!tpu.dma_semaphore, #tpu.memory_space<semaphore_mem>>) src(%dma_wait3A_107 : memref<100000x64xf32, #tpu.memory_space<hbm>>) dst(%dma_wait3A_101 : memref<128x64xf32, #tpu.memory_space<vmem>>)
    %dma_wait3A_108 = arith.constant 2 : i32
    %dma_wait3A_109 = arith.constant 0 : i32
    %dma_wait3A_110 = arith.constant 0 : i32
    %dma_wait3A_111 = arith.constant 0 : i32
    %dma_wait3A_112 = tpu.memref_slice %arg6[%dma_wait3A_109, %dma_wait3A_110, %dma_wait3A_111] : memref<2x640x64xf32, #tpu.memory_space<vmem>> -> memref<1x640x64xf32, #tpu.memory_space<vmem>>
    %dma_wait3A_113 = tpu.memref_squeeze %dma_wait3A_112 : memref<1x640x64xf32, #tpu.memory_space<vmem>> -> memref<640x64xf32, #tpu.memory_space<vmem>>
    %dma_wait3A_114 = arith.constant 256 : i32
    %dma_wait3A_115 = arith.constant 0 : i32
    %dma_wait3A_116 = tpu.memref_slice %dma_wait3A_113[%dma_wait3A_114, %dma_wait3A_115] : memref<640x64xf32, #tpu.memory_space<vmem>> -> memref<128x64xf32, #tpu.memory_space<vmem>>
    %dma_wait3A_117 = arith.constant 0 : i32
    %dma_wait3A_118 = tpu.memref_slice %arg5[%dma_wait3A_108, %dma_wait3A_117] : memref<200x128xi32, #tpu.memory_space<vmem>> -> memref<1x128xi32, #tpu.memory_space<vmem>>
    %dma_wait3A_119 = tpu.memref_squeeze %dma_wait3A_118 : memref<1x128xi32, #tpu.memory_space<vmem>> -> memref<128xi32, #tpu.memory_space<vmem>>
    %dma_wait3A_120 = arith.constant 0 : i32
    %dma_wait3A_121 = arith.constant 0 : i32
    %dma_wait3A_122 = tpu.memref_slice %arg2[%dma_wait3A_120, %dma_wait3A_121] : memref<100000x64xf32, #tpu.memory_space<hbm>> -> memref<100000x64xf32, #tpu.memory_space<hbm>>
    tpu.wait_indirect_dma semaphore(%arg7 : memref<!tpu.dma_semaphore, #tpu.memory_space<semaphore_mem>>) src(%dma_wait3A_122 : memref<100000x64xf32, #tpu.memory_space<hbm>>) dst(%dma_wait3A_116 : memref<128x64xf32, #tpu.memory_space<vmem>>)
    %dma_wait3A_123 = arith.constant 3 : i32
    %dma_wait3A_124 = arith.constant 0 : i32
    %dma_wait3A_125 = arith.constant 0 : i32
    %dma_wait3A_126 = arith.constant 0 : i32
    %dma_wait3A_127 = tpu.memref_slice %arg6[%dma_wait3A_124, %dma_wait3A_125, %dma_wait3A_126] : memref<2x640x64xf32, #tpu.memory_space<vmem>> -> memref<1x640x64xf32, #tpu.memory_space<vmem>>
    %dma_wait3A_128 = tpu.memref_squeeze %dma_wait3A_127 : memref<1x640x64xf32, #tpu.memory_space<vmem>> -> memref<640x64xf32, #tpu.memory_space<vmem>>
    %dma_wait3A_129 = arith.constant 384 : i32
    %dma_wait3A_130 = arith.constant 0 : i32
    %dma_wait3A_131 = tpu.memref_slice %dma_wait3A_128[%dma_wait3A_129, %dma_wait3A_130] : memref<640x64xf32, #tpu.memory_space<vmem>> -> memref<128x64xf32, #tpu.memory_space<vmem>>
    %dma_wait3A_132 = arith.constant 0 : i32
    %dma_wait3A_133 = tpu.memref_slice %arg5[%dma_wait3A_123, %dma_wait3A_132] : memref<200x128xi32, #tpu.memory_space<vmem>> -> memref<1x128xi32, #tpu.memory_space<vmem>>
    %dma_wait3A_134 = tpu.memref_squeeze %dma_wait3A_133 : memref<1x128xi32, #tpu.memory_space<vmem>> -> memref<128xi32, #tpu.memory_space<vmem>>
    %dma_wait3A_135 = arith.constant 0 : i32
    %dma_wait3A_136 = arith.constant 0 : i32
    %dma_wait3A_137 = tpu.memref_slice %arg2[%dma_wait3A_135, %dma_wait3A_136] : memref<100000x64xf32, #tpu.memory_space<hbm>> -> memref<100000x64xf32, #tpu.memory_space<hbm>>
    tpu.wait_indirect_dma semaphore(%arg7 : memref<!tpu.dma_semaphore, #tpu.memory_space<semaphore_mem>>) src(%dma_wait3A_137 : memref<100000x64xf32, #tpu.memory_space<hbm>>) dst(%dma_wait3A_131 : memref<128x64xf32, #tpu.memory_space<vmem>>)
    %dma_wait3A_138 = arith.constant 4 : i32
    %dma_wait3A_139 = arith.constant 0 : i32
    %dma_wait3A_140 = arith.constant 0 : i32
    %dma_wait3A_141 = arith.constant 0 : i32
    %dma_wait3A_142 = tpu.memref_slice %arg6[%dma_wait3A_139, %dma_wait3A_140, %dma_wait3A_141] : memref<2x640x64xf32, #tpu.memory_space<vmem>> -> memref<1x640x64xf32, #tpu.memory_space<vmem>>
    %dma_wait3A_143 = tpu.memref_squeeze %dma_wait3A_142 : memref<1x640x64xf32, #tpu.memory_space<vmem>> -> memref<640x64xf32, #tpu.memory_space<vmem>>
    %dma_wait3A_144 = arith.constant 512 : i32
    %dma_wait3A_145 = arith.constant 0 : i32
    %dma_wait3A_146 = tpu.memref_slice %dma_wait3A_143[%dma_wait3A_144, %dma_wait3A_145] : memref<640x64xf32, #tpu.memory_space<vmem>> -> memref<128x64xf32, #tpu.memory_space<vmem>>
    %dma_wait3A_147 = arith.constant 0 : i32
    %dma_wait3A_148 = tpu.memref_slice %arg5[%dma_wait3A_138, %dma_wait3A_147] : memref<200x128xi32, #tpu.memory_space<vmem>> -> memref<1x128xi32, #tpu.memory_space<vmem>>
    %dma_wait3A_149 = tpu.memref_squeeze %dma_wait3A_148 : memref<1x128xi32, #tpu.memory_space<vmem>> -> memref<128xi32, #tpu.memory_space<vmem>>
    %dma_wait3A_150 = arith.constant 0 : i32
    %dma_wait3A_151 = arith.constant 0 : i32
    %dma_wait3A_152 = tpu.memref_slice %arg2[%dma_wait3A_150, %dma_wait3A_151] : memref<100000x64xf32, #tpu.memory_space<hbm>> -> memref<100000x64xf32, #tpu.memory_space<hbm>>
    tpu.wait_indirect_dma semaphore(%arg7 : memref<!tpu.dma_semaphore, #tpu.memory_space<semaphore_mem>>) src(%dma_wait3A_152 : memref<100000x64xf32, #tpu.memory_space<hbm>>) dst(%dma_wait3A_146 : memref<128x64xf32, #tpu.memory_space<vmem>>)
    %add3A_153 = arith.constant 0 : i32
    %add3A_154 = arith.addi %mul3A_2, %add3A_153 : i32
    %dma_start3A_155 = arith.constant 0 : i32
    %dma_start3A_156 = arith.constant 0 : i32
    %dma_start3A_157 = arith.constant 0 : i32
    %dma_start3A_158 = tpu.memref_slice %arg6[%dma_start3A_155, %dma_start3A_156, %dma_start3A_157] : memref<2x640x64xf32, #tpu.memory_space<vmem>> -> memref<1x640x64xf32, #tpu.memory_space<vmem>>
    %dma_start3A_159 = tpu.memref_squeeze %dma_start3A_158 : memref<1x640x64xf32, #tpu.memory_space<vmem>> -> memref<640x64xf32, #tpu.memory_space<vmem>>
    %dma_start3A_160 = arith.constant 0 : i32
    %dma_start3A_161 = tpu.memref_slice %arg4[%add3A_154, %dma_start3A_160] : memref<819200x128xf32, #tpu.memory_space<hbm>> -> memref<640x64xf32, #tpu.memory_space<hbm>>
    %dma_start3A_162 = arith.constant 0 : i32
    %dma_start3A_163 = tpu.memref_slice %arg4[%add3A_154, %dma_start3A_162] : memref<819200x128xf32, #tpu.memory_space<hbm>> -> memref<640x64xf32, #tpu.memory_space<hbm>>
    %dma_start3A_164 = arith.constant 0 : i32
    %dma_start3A_165 = arith.constant 0 : i32
    %dma_start3A_166 = tpu.memref_slice %arg6[%dma_start3A_155, %dma_start3A_164, %dma_start3A_165] : memref<2x640x64xf32, #tpu.memory_space<vmem>> -> memref<1x640x64xf32, #tpu.memory_space<vmem>>
    %dma_start3A_167 = tpu.memref_squeeze %dma_start3A_166 : memref<1x640x64xf32, #tpu.memory_space<vmem>> -> memref<640x64xf32, #tpu.memory_space<vmem>>
    tpu.enqueue_dma source(%dma_start3A_167 : memref<640x64xf32, #tpu.memory_space<vmem>>) target(%dma_start3A_163 : memref<640x64xf32, #tpu.memory_space<hbm>>) target_semaphore(%arg8 : memref<!tpu.dma_semaphore, #tpu.memory_space<semaphore_mem>>)
    %dma_start3A_168 = arith.constant 5 : i32
    %dma_start3A_169 = arith.constant 1 : i32
    %dma_start3A_170 = arith.constant 0 : i32
    %dma_start3A_171 = arith.constant 0 : i32
    %dma_start3A_172 = tpu.memref_slice %arg6[%dma_start3A_169, %dma_start3A_170, %dma_start3A_171] : memref<2x640x64xf32, #tpu.memory_space<vmem>> -> memref<1x640x64xf32, #tpu.memory_space<vmem>>
    %dma_start3A_173 = tpu.memref_squeeze %dma_start3A_172 : memref<1x640x64xf32, #tpu.memory_space<vmem>> -> memref<640x64xf32, #tpu.memory_space<vmem>>
    %dma_start3A_174 = arith.constant 0 : i32
    %dma_start3A_175 = arith.constant 0 : i32
    %dma_start3A_176 = tpu.memref_slice %dma_start3A_173[%dma_start3A_174, %dma_start3A_175] : memref<640x64xf32, #tpu.memory_space<vmem>> -> memref<128x64xf32, #tpu.memory_space<vmem>>
    %dma_start3A_177 = arith.constant 0 : i32
    %dma_start3A_178 = tpu.memref_slice %arg5[%dma_start3A_168, %dma_start3A_177] : memref<200x128xi32, #tpu.memory_space<vmem>> -> memref<1x128xi32, #tpu.memory_space<vmem>>
    %dma_start3A_179 = tpu.memref_squeeze %dma_start3A_178 : memref<1x128xi32, #tpu.memory_space<vmem>> -> memref<128xi32, #tpu.memory_space<vmem>>
    %dma_start3A_180 = arith.constant 0 : i32
    %dma_start3A_181 = arith.constant 0 : i32
    %dma_start3A_182 = tpu.memref_slice %arg2[%dma_start3A_180, %dma_start3A_181] : memref<100000x64xf32, #tpu.memory_space<hbm>> -> memref<100000x64xf32, #tpu.memory_space<hbm>>
    tpu.enqueue_indirect_dma source(%dma_start3A_182 : memref<100000x64xf32, #tpu.memory_space<hbm>>) target(%dma_start3A_176 : memref<128x64xf32, #tpu.memory_space<vmem>>) offsets(%dma_start3A_179 : memref<128xi32, #tpu.memory_space<vmem>>) semaphore(%arg7 : memref<!tpu.dma_semaphore, #tpu.memory_space<semaphore_mem>>)
    %dma_start3A_183 = arith.constant 6 : i32
    %dma_start3A_184 = arith.constant 1 : i32
    %dma_start3A_185 = arith.constant 0 : i32
    %dma_start3A_186 = arith.constant 0 : i32
    %dma_start3A_187 = tpu.memref_slice %arg6[%dma_start3A_184, %dma_start3A_185, %dma_start3A_186] : memref<2x640x64xf32, #tpu.memory_space<vmem>> -> memref<1x640x64xf32, #tpu.memory_space<vmem>>
    %dma_start3A_188 = tpu.memref_squeeze %dma_start3A_187 : memref<1x640x64xf32, #tpu.memory_space<vmem>> -> memref<640x64xf32, #tpu.memory_space<vmem>>
    %dma_start3A_189 = arith.constant 128 : i32
    %dma_start3A_190 = arith.constant 0 : i32
    %dma_start3A_191 = tpu.memref_slice %dma_start3A_188[%dma_start3A_189, %dma_start3A_190] : memref<640x64xf32, #tpu.memory_space<vmem>> -> memref<128x64xf32, #tpu.memory_space<vmem>>
    %dma_start3A_192 = arith.constant 0 : i32
    %dma_start3A_193 = tpu.memref_slice %arg5[%dma_start3A_183, %dma_start3A_192] : memref<200x128xi32, #tpu.memory_space<vmem>> -> memref<1x128xi32, #tpu.memory_space<vmem>>
    %dma_start3A_194 = tpu.memref_squeeze %dma_start3A_193 : memref<1x128xi32, #tpu.memory_space<vmem>> -> memref<128xi32, #tpu.memory_space<vmem>>
    %dma_start3A_195 = arith.constant 0 : i32
    %dma_start3A_196 = arith.constant 0 : i32
    %dma_start3A_197 = tpu.memref_slice %arg2[%dma_start3A_195, %dma_start3A_196] : memref<100000x64xf32, #tpu.memory_space<hbm>> -> memref<100000x64xf32, #tpu.memory_space<hbm>>
    tpu.enqueue_indirect_dma source(%dma_start3A_197 : memref<100000x64xf32, #tpu.memory_space<hbm>>) target(%dma_start3A_191 : memref<128x64xf32, #tpu.memory_space<vmem>>) offsets(%dma_start3A_194 : memref<128xi32, #tpu.memory_space<vmem>>) semaphore(%arg7 : memref<!tpu.dma_semaphore, #tpu.memory_space<semaphore_mem>>)
    %dma_start3A_198 = arith.constant 7 : i32
    %dma_start3A_199 = arith.constant 1 : i32
    %dma_start3A_200 = arith.constant 0 : i32
    %dma_start3A_201 = arith.constant 0 : i32
    %dma_start3A_202 = tpu.memref_slice %arg6[%dma_start3A_199, %dma_start3A_200, %dma_start3A_201] : memref<2x640x64xf32, #tpu.memory_space<vmem>> -> memref<1x640x64xf32, #tpu.memory_space<vmem>>
    %dma_start3A_203 = tpu.memref_squeeze %dma_start3A_202 : memref<1x640x64xf32, #tpu.memory_space<vmem>> -> memref<640x64xf32, #tpu.memory_space<vmem>>
    %dma_start3A_204 = arith.constant 256 : i32
    %dma_start3A_205 = arith.constant 0 : i32
    %dma_start3A_206 = tpu.memref_slice %dma_start3A_203[%dma_start3A_204, %dma_start3A_205] : memref<640x64xf32, #tpu.memory_space<vmem>> -> memref<128x64xf32, #tpu.memory_space<vmem>>
    %dma_start3A_207 = arith.constant 0 : i32
    %dma_start3A_208 = tpu.memref_slice %arg5[%dma_start3A_198, %dma_start3A_207] : memref<200x128xi32, #tpu.memory_space<vmem>> -> memref<1x128xi32, #tpu.memory_space<vmem>>
    %dma_start3A_209 = tpu.memref_squeeze %dma_start3A_208 : memref<1x128xi32, #tpu.memory_space<vmem>> -> memref<128xi32, #tpu.memory_space<vmem>>
    %dma_start3A_210 = arith.constant 0 : i32
    %dma_start3A_211 = arith.constant 0 : i32
    %dma_start3A_212 = tpu.memref_slice %arg2[%dma_start3A_210, %dma_start3A_211] : memref<100000x64xf32, #tpu.memory_space<hbm>> -> memref<100000x64xf32, #tpu.memory_space<hbm>>
    tpu.enqueue_indirect_dma source(%dma_start3A_212 : memref<100000x64xf32, #tpu.memory_space<hbm>>) target(%dma_start3A_206 : memref<128x64xf32, #tpu.memory_space<vmem>>) offsets(%dma_start3A_209 : memref<128xi32, #tpu.memory_space<vmem>>) semaphore(%arg7 : memref<!tpu.dma_semaphore, #tpu.memory_space<semaphore_mem>>)
    %dma_start3A_213 = arith.constant 8 : i32
    %dma_start3A_214 = arith.constant 1 : i32
    %dma_start3A_215 = arith.constant 0 : i32
    %dma_start3A_216 = arith.constant 0 : i32
    %dma_start3A_217 = tpu.memref_slice %arg6[%dma_start3A_214, %dma_start3A_215, %dma_start3A_216] : memref<2x640x64xf32, #tpu.memory_space<vmem>> -> memref<1x640x64xf32, #tpu.memory_space<vmem>>
    %dma_start3A_218 = tpu.memref_squeeze %dma_start3A_217 : memref<1x640x64xf32, #tpu.memory_space<vmem>> -> memref<640x64xf32, #tpu.memory_space<vmem>>
    %dma_start3A_219 = arith.constant 384 : i32
    %dma_start3A_220 = arith.constant 0 : i32
    %dma_start3A_221 = tpu.memref_slice %dma_start3A_218[%dma_start3A_219, %dma_start3A_220] : memref<640x64xf32, #tpu.memory_space<vmem>> -> memref<128x64xf32, #tpu.memory_space<vmem>>
    %dma_start3A_222 = arith.constant 0 : i32
    %dma_start3A_223 = tpu.memref_slice %arg5[%dma_start3A_213, %dma_start3A_222] : memref<200x128xi32, #tpu.memory_space<vmem>> -> memref<1x128xi32, #tpu.memory_space<vmem>>
    %dma_start3A_224 = tpu.memref_squeeze %dma_start3A_223 : memref<1x128xi32, #tpu.memory_space<vmem>> -> memref<128xi32, #tpu.memory_space<vmem>>
    %dma_start3A_225 = arith.constant 0 : i32
    %dma_start3A_226 = arith.constant 0 : i32
    %dma_start3A_227 = tpu.memref_slice %arg2[%dma_start3A_225, %dma_start3A_226] : memref<100000x64xf32, #tpu.memory_space<hbm>> -> memref<100000x64xf32, #tpu.memory_space<hbm>>
    tpu.enqueue_indirect_dma source(%dma_start3A_227 : memref<100000x64xf32, #tpu.memory_space<hbm>>) target(%dma_start3A_221 : memref<128x64xf32, #tpu.memory_space<vmem>>) offsets(%dma_start3A_224 : memref<128xi32, #tpu.memory_space<vmem>>) semaphore(%arg7 : memref<!tpu.dma_semaphore, #tpu.memory_space<semaphore_mem>>)
    %dma_start3A_228 = arith.constant 9 : i32
    %dma_start3A_229 = arith.constant 1 : i32
    %dma_start3A_230 = arith.constant 0 : i32
    %dma_start3A_231 = arith.constant 0 : i32
    %dma_start3A_232 = tpu.memref_slice %arg6[%dma_start3A_229, %dma_start3A_230, %dma_start3A_231] : memref<2x640x64xf32, #tpu.memory_space<vmem>> -> memref<1x640x64xf32, #tpu.memory_space<vmem>>
    %dma_start3A_233 = tpu.memref_squeeze %dma_start3A_232 : memref<1x640x64xf32, #tpu.memory_space<vmem>> -> memref<640x64xf32, #tpu.memory_space<vmem>>
    %dma_start3A_234 = arith.constant 512 : i32
    %dma_start3A_235 = arith.constant 0 : i32
    %dma_start3A_236 = tpu.memref_slice %dma_start3A_233[%dma_start3A_234, %dma_start3A_235] : memref<640x64xf32, #tpu.memory_space<vmem>> -> memref<128x64xf32, #tpu.memory_space<vmem>>
    %dma_start3A_237 = arith.constant 0 : i32
    %dma_start3A_238 = tpu.memref_slice %arg5[%dma_start3A_228, %dma_start3A_237] : memref<200x128xi32, #tpu.memory_space<vmem>> -> memref<1x128xi32, #tpu.memory_space<vmem>>
    %dma_start3A_239 = tpu.memref_squeeze %dma_start3A_238 : memref<1x128xi32, #tpu.memory_space<vmem>> -> memref<128xi32, #tpu.memory_space<vmem>>
    %dma_start3A_240 = arith.constant 0 : i32
    %dma_start3A_241 = arith.constant 0 : i32
    %dma_start3A_242 = tpu.memref_slice %arg2[%dma_start3A_240, %dma_start3A_241] : memref<100000x64xf32, #tpu.memory_space<hbm>> -> memref<100000x64xf32, #tpu.memory_space<hbm>>
    tpu.enqueue_indirect_dma source(%dma_start3A_242 : memref<100000x64xf32, #tpu.memory_space<hbm>>) target(%dma_start3A_236 : memref<128x64xf32, #tpu.memory_space<vmem>>) offsets(%dma_start3A_239 : memref<128xi32, #tpu.memory_space<vmem>>) semaphore(%arg7 : memref<!tpu.dma_semaphore, #tpu.memory_space<semaphore_mem>>)
    %dma_wait3A_243 = arith.constant 5 : i32
    %dma_wait3A_244 = arith.constant 1 : i32
    %dma_wait3A_245 = arith.constant 0 : i32
    %dma_wait3A_246 = arith.constant 0 : i32
    %dma_wait3A_247 = tpu.memref_slice %arg6[%dma_wait3A_244, %dma_wait3A_245, %dma_wait3A_246] : memref<2x640x64xf32, #tpu.memory_space<vmem>> -> memref<1x640x64xf32, #tpu.memory_space<vmem>>
    %dma_wait3A_248 = tpu.memref_squeeze %dma_wait3A_247 : memref<1x640x64xf32, #tpu.memory_space<vmem>> -> memref<640x64xf32, #tpu.memory_space<vmem>>
    %dma_wait3A_249 = arith.constant 0 : i32
    %dma_wait3A_250 = arith.constant 0 : i32
    %dma_wait3A_251 = tpu.memref_slice %dma_wait3A_248[%dma_wait3A_249, %dma_wait3A_250] : memref<640x64xf32, #tpu.memory_space<vmem>> -> memref<128x64xf32, #tpu.memory_space<vmem>>
    %dma_wait3A_252 = arith.constant 0 : i32
    %dma_wait3A_253 = tpu.memref_slice %arg5[%dma_wait3A_243, %dma_wait3A_252] : memref<200x128xi32, #tpu.memory_space<vmem>> -> memref<1x128xi32, #tpu.memory_space<vmem>>
    %dma_wait3A_254 = tpu.memref_squeeze %dma_wait3A_253 : memref<1x128xi32, #tpu.memory_space<vmem>> -> memref<128xi32, #tpu.memory_space<vmem>>
    %dma_wait3A_255 = arith.constant 0 : i32
    %dma_wait3A_256 = arith.constant 0 : i32
    %dma_wait3A_257 = tpu.memref_slice %arg2[%dma_wait3A_255, %dma_wait3A_256] : memref<100000x64xf32, #tpu.memory_space<hbm>> -> memref<100000x64xf32, #tpu.memory_space<hbm>>
    tpu.wait_indirect_dma semaphore(%arg7 : memref<!tpu.dma_semaphore, #tpu.memory_space<semaphore_mem>>) src(%dma_wait3A_257 : memref<100000x64xf32, #tpu.memory_space<hbm>>) dst(%dma_wait3A_251 : memref<128x64xf32, #tpu.memory_space<vmem>>)
    %dma_wait3A_258 = arith.constant 6 : i32
    %dma_wait3A_259 = arith.constant 1 : i32
    %dma_wait3A_260 = arith.constant 0 : i32
    %dma_wait3A_261 = arith.constant 0 : i32
    %dma_wait3A_262 = tpu.memref_slice %arg6[%dma_wait3A_259, %dma_wait3A_260, %dma_wait3A_261] : memref<2x640x64xf32, #tpu.memory_space<vmem>> -> memref<1x640x64xf32, #tpu.memory_space<vmem>>
    %dma_wait3A_263 = tpu.memref_squeeze %dma_wait3A_262 : memref<1x640x64xf32, #tpu.memory_space<vmem>> -> memref<640x64xf32, #tpu.memory_space<vmem>>
    %dma_wait3A_264 = arith.constant 128 : i32
    %dma_wait3A_265 = arith.constant 0 : i32
    %dma_wait3A_266 = tpu.memref_slice %dma_wait3A_263[%dma_wait3A_264, %dma_wait3A_265] : memref<640x64xf32, #tpu.memory_space<vmem>> -> memref<128x64xf32, #tpu.memory_space<vmem>>
    %dma_wait3A_267 = arith.constant 0 : i32
    %dma_wait3A_268 = tpu.memref_slice %arg5[%dma_wait3A_258, %dma_wait3A_267] : memref<200x128xi32, #tpu.memory_space<vmem>> -> memref<1x128xi32, #tpu.memory_space<vmem>>
    %dma_wait3A_269 = tpu.memref_squeeze %dma_wait3A_268 : memref<1x128xi32, #tpu.memory_space<vmem>> -> memref<128xi32, #tpu.memory_space<vmem>>
    %dma_wait3A_270 = arith.constant 0 : i32
    %dma_wait3A_271 = arith.constant 0 : i32
    %dma_wait3A_272 = tpu.memref_slice %arg2[%dma_wait3A_270, %dma_wait3A_271] : memref<100000x64xf32, #tpu.memory_space<hbm>> -> memref<100000x64xf32, #tpu.memory_space<hbm>>
    tpu.wait_indirect_dma semaphore(%arg7 : memref<!tpu.dma_semaphore, #tpu.memory_space<semaphore_mem>>) src(%dma_wait3A_272 : memref<100000x64xf32, #tpu.memory_space<hbm>>) dst(%dma_wait3A_266 : memref<128x64xf32, #tpu.memory_space<vmem>>)
    %dma_wait3A_273 = arith.constant 7 : i32
    %dma_wait3A_274 = arith.constant 1 : i32
    %dma_wait3A_275 = arith.constant 0 : i32
    %dma_wait3A_276 = arith.constant 0 : i32
    %dma_wait3A_277 = tpu.memref_slice %arg6[%dma_wait3A_274, %dma_wait3A_275, %dma_wait3A_276] : memref<2x640x64xf32, #tpu.memory_space<vmem>> -> memref<1x640x64xf32, #tpu.memory_space<vmem>>
    %dma_wait3A_278 = tpu.memref_squeeze %dma_wait3A_277 : memref<1x640x64xf32, #tpu.memory_space<vmem>> -> memref<640x64xf32, #tpu.memory_space<vmem>>
    %dma_wait3A_279 = arith.constant 256 : i32
    %dma_wait3A_280 = arith.constant 0 : i32
    %dma_wait3A_281 = tpu.memref_slice %dma_wait3A_278[%dma_wait3A_279, %dma_wait3A_280] : memref<640x64xf32, #tpu.memory_space<vmem>> -> memref<128x64xf32, #tpu.memory_space<vmem>>
    %dma_wait3A_282 = arith.constant 0 : i32
    %dma_wait3A_283 = tpu.memref_slice %arg5[%dma_wait3A_273, %dma_wait3A_282] : memref<200x128xi32, #tpu.memory_space<vmem>> -> memref<1x128xi32, #tpu.memory_space<vmem>>
    %dma_wait3A_284 = tpu.memref_squeeze %dma_wait3A_283 : memref<1x128xi32, #tpu.memory_space<vmem>> -> memref<128xi32, #tpu.memory_space<vmem>>
    %dma_wait3A_285 = arith.constant 0 : i32
    %dma_wait3A_286 = arith.constant 0 : i32
    %dma_wait3A_287 = tpu.memref_slice %arg2[%dma_wait3A_285, %dma_wait3A_286] : memref<100000x64xf32, #tpu.memory_space<hbm>> -> memref<100000x64xf32, #tpu.memory_space<hbm>>
    tpu.wait_indirect_dma semaphore(%arg7 : memref<!tpu.dma_semaphore, #tpu.memory_space<semaphore_mem>>) src(%dma_wait3A_287 : memref<100000x64xf32, #tpu.memory_space<hbm>>) dst(%dma_wait3A_281 : memref<128x64xf32, #tpu.memory_space<vmem>>)
    %dma_wait3A_288 = arith.constant 8 : i32
    %dma_wait3A_289 = arith.constant 1 : i32
    %dma_wait3A_290 = arith.constant 0 : i32
    %dma_wait3A_291 = arith.constant 0 : i32
    %dma_wait3A_292 = tpu.memref_slice %arg6[%dma_wait3A_289, %dma_wait3A_290, %dma_wait3A_291] : memref<2x640x64xf32, #tpu.memory_space<vmem>> -> memref<1x640x64xf32, #tpu.memory_space<vmem>>
    %dma_wait3A_293 = tpu.memref_squeeze %dma_wait3A_292 : memref<1x640x64xf32, #tpu.memory_space<vmem>> -> memref<640x64xf32, #tpu.memory_space<vmem>>
    %dma_wait3A_294 = arith.constant 384 : i32
    %dma_wait3A_295 = arith.constant 0 : i32
    %dma_wait3A_296 = tpu.memref_slice %dma_wait3A_293[%dma_wait3A_294, %dma_wait3A_295] : memref<640x64xf32, #tpu.memory_space<vmem>> -> memref<128x64xf32, #tpu.memory_space<vmem>>
    %dma_wait3A_297 = arith.constant 0 : i32
    %dma_wait3A_298 = tpu.memref_slice %arg5[%dma_wait3A_288, %dma_wait3A_297] : memref<200x128xi32, #tpu.memory_space<vmem>> -> memref<1x128xi32, #tpu.memory_space<vmem>>
    %dma_wait3A_299 = tpu.memref_squeeze %dma_wait3A_298 : memref<1x128xi32, #tpu.memory_space<vmem>> -> memref<128xi32, #tpu.memory_space<vmem>>
    %dma_wait3A_300 = arith.constant 0 : i32
    %dma_wait3A_301 = arith.constant 0 : i32
    %dma_wait3A_302 = tpu.memref_slice %arg2[%dma_wait3A_300, %dma_wait3A_301] : memref<100000x64xf32, #tpu.memory_space<hbm>> -> memref<100000x64xf32, #tpu.memory_space<hbm>>
    tpu.wait_indirect_dma semaphore(%arg7 : memref<!tpu.dma_semaphore, #tpu.memory_space<semaphore_mem>>) src(%dma_wait3A_302 : memref<100000x64xf32, #tpu.memory_space<hbm>>) dst(%dma_wait3A_296 : memref<128x64xf32, #tpu.memory_space<vmem>>)
    %dma_wait3A_303 = arith.constant 9 : i32
    %dma_wait3A_304 = arith.constant 1 : i32
    %dma_wait3A_305 = arith.constant 0 : i32
    %dma_wait3A_306 = arith.constant 0 : i32
    %dma_wait3A_307 = tpu.memref_slice %arg6[%dma_wait3A_304, %dma_wait3A_305, %dma_wait3A_306] : memref<2x640x64xf32, #tpu.memory_space<vmem>> -> memref<1x640x64xf32, #tpu.memory_space<vmem>>
    %dma_wait3A_308 = tpu.memref_squeeze %dma_wait3A_307 : memref<1x640x64xf32, #tpu.memory_space<vmem>> -> memref<640x64xf32, #tpu.memory_space<vmem>>
    %dma_wait3A_309 = arith.constant 512 : i32
    %dma_wait3A_310 = arith.constant 0 : i32
    %dma_wait3A_311 = tpu.memref_slice %dma_wait3A_308[%dma_wait3A_309, %dma_wait3A_310] : memref<640x64xf32, #tpu.memory_space<vmem>> -> memref<128x64xf32, #tpu.memory_space<vmem>>
    %dma_wait3A_312 = arith.constant 0 : i32
    %dma_wait3A_313 = tpu.memref_slice %arg5[%dma_wait3A_303, %dma_wait3A_312] : memref<200x128xi32, #tpu.memory_space<vmem>> -> memref<1x128xi32, #tpu.memory_space<vmem>>
    %dma_wait3A_314 = tpu.memref_squeeze %dma_wait3A_313 : memref<1x128xi32, #tpu.memory_space<vmem>> -> memref<128xi32, #tpu.memory_space<vmem>>
    %dma_wait3A_315 = arith.constant 0 : i32
    %dma_wait3A_316 = arith.constant 0 : i32
    %dma_wait3A_317 = tpu.memref_slice %arg2[%dma_wait3A_315, %dma_wait3A_316] : memref<100000x64xf32, #tpu.memory_space<hbm>> -> memref<100000x64xf32, #tpu.memory_space<hbm>>
    tpu.wait_indirect_dma semaphore(%arg7 : memref<!tpu.dma_semaphore, #tpu.memory_space<semaphore_mem>>) src(%dma_wait3A_317 : memref<100000x64xf32, #tpu.memory_space<hbm>>) dst(%dma_wait3A_311 : memref<128x64xf32, #tpu.memory_space<vmem>>)
    %add3A_318 = arith.constant 640 : i32
    %add3A_319 = arith.addi %mul3A_2, %add3A_318 : i32
    %dma_start3A_320 = arith.constant 1 : i32
    %dma_start3A_321 = arith.constant 0 : i32
    %dma_start3A_322 = arith.constant 0 : i32
    %dma_start3A_323 = tpu.memref_slice %arg6[%dma_start3A_320, %dma_start3A_321, %dma_start3A_322] : memref<2x640x64xf32, #tpu.memory_space<vmem>> -> memref<1x640x64xf32, #tpu.memory_space<vmem>>
    %dma_start3A_324 = tpu.memref_squeeze %dma_start3A_323 : memref<1x640x64xf32, #tpu.memory_space<vmem>> -> memref<640x64xf32, #tpu.memory_space<vmem>>
    %dma_start3A_325 = arith.constant 0 : i32
    %dma_start3A_326 = tpu.memref_slice %arg4[%add3A_319, %dma_start3A_325] : memref<819200x128xf32, #tpu.memory_space<hbm>> -> memref<640x64xf32, #tpu.memory_space<hbm>>
    %dma_start3A_327 = arith.constant 0 : i32
    %dma_start3A_328 = tpu.memref_slice %arg4[%add3A_319, %dma_start3A_327] : memref<819200x128xf32, #tpu.memory_space<hbm>> -> memref<640x64xf32, #tpu.memory_space<hbm>>
    %dma_start3A_329 = arith.constant 0 : i32
    %dma_start3A_330 = arith.constant 0 : i32
    %dma_start3A_331 = tpu.memref_slice %arg6[%dma_start3A_320, %dma_start3A_329, %dma_start3A_330] : memref<2x640x64xf32, #tpu.memory_space<vmem>> -> memref<1x640x64xf32, #tpu.memory_space<vmem>>
    %dma_start3A_332 = tpu.memref_squeeze %dma_start3A_331 : memref<1x640x64xf32, #tpu.memory_space<vmem>> -> memref<640x64xf32, #tpu.memory_space<vmem>>
    tpu.enqueue_dma source(%dma_start3A_332 : memref<640x64xf32, #tpu.memory_space<vmem>>) target(%dma_start3A_328 : memref<640x64xf32, #tpu.memory_space<hbm>>) target_semaphore(%arg9 : memref<!tpu.dma_semaphore, #tpu.memory_space<semaphore_mem>>)
    %scan3A = arith.constant 0 : i32
    %scan3A_333 = arith.constant 19 : i32
    %scan3A_334 = arith.addi %scan3A, %scan3A_333 : i32
    %scan3A_335 = arith.constant 1 : i32
    scf.for %scan3A_367 = %scan3A to %scan3A_334 step %scan3A_335  : i32 {
      %mul3A_368 = arith.constant 2 : i32
      %mul3A_369 = arith.muli %scan3A_367, %mul3A_368 : i32
      %add3A_370 = arith.constant 2 : i32
      %add3A_371 = arith.addi %add3A_370, %mul3A_369 : i32
      %add3A_372 = arith.constant 0 : i32
      %add3A_373 = arith.addi %add3A_371, %add3A_372 : i32
      %sub3A = arith.constant 2 : i32
      %sub3A_374 = arith.subi %add3A_373, %sub3A : i32
      %mul3A_375 = arith.constant 640 : i32
      %mul3A_376 = arith.muli %sub3A_374, %mul3A_375 : i32
      %add3A_377 = arith.addi %mul3A_2, %mul3A_376 : i32
      %dma_wait3A_378 = arith.constant 0 : i32
      %dma_wait3A_379 = arith.constant 0 : i32
      %dma_wait3A_380 = arith.constant 0 : i32
      %dma_wait3A_381 = tpu.memref_slice %arg6[%dma_wait3A_378, %dma_wait3A_379, %dma_wait3A_380] : memref<2x640x64xf32, #tpu.memory_space<vmem>> -> memref<1x640x64xf32, #tpu.memory_space<vmem>>
      %dma_wait3A_382 = tpu.memref_squeeze %dma_wait3A_381 : memref<1x640x64xf32, #tpu.memory_space<vmem>> -> memref<640x64xf32, #tpu.memory_space<vmem>>
      %dma_wait3A_383 = arith.constant 0 : i32
      %dma_wait3A_384 = tpu.memref_slice %arg4[%add3A_377, %dma_wait3A_383] : memref<819200x128xf32, #tpu.memory_space<hbm>> -> memref<640x64xf32, #tpu.memory_space<hbm>>
      %dma_wait3A_385 = arith.constant 0 : i32
      %dma_wait3A_386 = tpu.memref_slice %arg4[%add3A_377, %dma_wait3A_385] : memref<819200x128xf32, #tpu.memory_space<hbm>> -> memref<640x64xf32, #tpu.memory_space<hbm>>
      %dma_wait3A_387 = arith.constant 0 : i32
      %dma_wait3A_388 = arith.constant 0 : i32
      %dma_wait3A_389 = tpu.memref_slice %arg6[%dma_wait3A_378, %dma_wait3A_387, %dma_wait3A_388] : memref<2x640x64xf32, #tpu.memory_space<vmem>> -> memref<1x640x64xf32, #tpu.memory_space<vmem>>
      %dma_wait3A_390 = tpu.memref_squeeze %dma_wait3A_389 : memref<1x640x64xf32, #tpu.memory_space<vmem>> -> memref<640x64xf32, #tpu.memory_space<vmem>>
      tpu.wait_dma2 semaphore(%arg8 : memref<!tpu.dma_semaphore, #tpu.memory_space<semaphore_mem>>) src(%dma_wait3A_390 : memref<640x64xf32, #tpu.memory_space<vmem>>) dst(%dma_wait3A_386 : memref<640x64xf32, #tpu.memory_space<hbm>>)
      %add3A_391 = arith.constant 0 : i32
      %add3A_392 = arith.addi %add3A_371, %add3A_391 : i32
      %mul3A_393 = arith.constant 5 : i32
      %mul3A_394 = arith.muli %add3A_392, %mul3A_393 : i32
      %add3A_395 = arith.constant 0 : i32
      %add3A_396 = arith.addi %mul3A_394, %add3A_395 : i32
      %dma_start3A_397 = arith.constant 0 : i32
      %dma_start3A_398 = arith.constant 0 : i32
      %dma_start3A_399 = arith.constant 0 : i32
      %dma_start3A_400 = tpu.memref_slice %arg6[%dma_start3A_397, %dma_start3A_398, %dma_start3A_399] : memref<2x640x64xf32, #tpu.memory_space<vmem>> -> memref<1x640x64xf32, #tpu.memory_space<vmem>>
      %dma_start3A_401 = tpu.memref_squeeze %dma_start3A_400 : memref<1x640x64xf32, #tpu.memory_space<vmem>> -> memref<640x64xf32, #tpu.memory_space<vmem>>
      %dma_start3A_402 = arith.constant 0 : i32
      %dma_start3A_403 = arith.constant 0 : i32
      %dma_start3A_404 = tpu.memref_slice %dma_start3A_401[%dma_start3A_402, %dma_start3A_403] : memref<640x64xf32, #tpu.memory_space<vmem>> -> memref<128x64xf32, #tpu.memory_space<vmem>>
      %dma_start3A_405 = arith.constant 0 : i32
      %dma_start3A_406 = tpu.memref_slice %arg5[%add3A_396, %dma_start3A_405] : memref<200x128xi32, #tpu.memory_space<vmem>> -> memref<1x128xi32, #tpu.memory_space<vmem>>
      %dma_start3A_407 = tpu.memref_squeeze %dma_start3A_406 : memref<1x128xi32, #tpu.memory_space<vmem>> -> memref<128xi32, #tpu.memory_space<vmem>>
      %dma_start3A_408 = arith.constant 0 : i32
      %dma_start3A_409 = arith.constant 0 : i32
      %dma_start3A_410 = tpu.memref_slice %arg2[%dma_start3A_408, %dma_start3A_409] : memref<100000x64xf32, #tpu.memory_space<hbm>> -> memref<100000x64xf32, #tpu.memory_space<hbm>>
      tpu.enqueue_indirect_dma source(%dma_start3A_410 : memref<100000x64xf32, #tpu.memory_space<hbm>>) target(%dma_start3A_404 : memref<128x64xf32, #tpu.memory_space<vmem>>) offsets(%dma_start3A_407 : memref<128xi32, #tpu.memory_space<vmem>>) semaphore(%arg7 : memref<!tpu.dma_semaphore, #tpu.memory_space<semaphore_mem>>)
      %mul3A_411 = arith.constant 5 : i32
      %mul3A_412 = arith.muli %add3A_392, %mul3A_411 : i32
      %add3A_413 = arith.constant 1 : i32
      %add3A_414 = arith.addi %mul3A_412, %add3A_413 : i32
      %dma_start3A_415 = arith.constant 0 : i32
      %dma_start3A_416 = arith.constant 0 : i32
      %dma_start3A_417 = arith.constant 0 : i32
      %dma_start3A_418 = tpu.memref_slice %arg6[%dma_start3A_415, %dma_start3A_416, %dma_start3A_417] : memref<2x640x64xf32, #tpu.memory_space<vmem>> -> memref<1x640x64xf32, #tpu.memory_space<vmem>>
      %dma_start3A_419 = tpu.memref_squeeze %dma_start3A_418 : memref<1x640x64xf32, #tpu.memory_space<vmem>> -> memref<640x64xf32, #tpu.memory_space<vmem>>
      %dma_start3A_420 = arith.constant 128 : i32
      %dma_start3A_421 = arith.constant 0 : i32
      %dma_start3A_422 = tpu.memref_slice %dma_start3A_419[%dma_start3A_420, %dma_start3A_421] : memref<640x64xf32, #tpu.memory_space<vmem>> -> memref<128x64xf32, #tpu.memory_space<vmem>>
      %dma_start3A_423 = arith.constant 0 : i32
      %dma_start3A_424 = tpu.memref_slice %arg5[%add3A_414, %dma_start3A_423] : memref<200x128xi32, #tpu.memory_space<vmem>> -> memref<1x128xi32, #tpu.memory_space<vmem>>
      %dma_start3A_425 = tpu.memref_squeeze %dma_start3A_424 : memref<1x128xi32, #tpu.memory_space<vmem>> -> memref<128xi32, #tpu.memory_space<vmem>>
      %dma_start3A_426 = arith.constant 0 : i32
      %dma_start3A_427 = arith.constant 0 : i32
      %dma_start3A_428 = tpu.memref_slice %arg2[%dma_start3A_426, %dma_start3A_427] : memref<100000x64xf32, #tpu.memory_space<hbm>> -> memref<100000x64xf32, #tpu.memory_space<hbm>>
      tpu.enqueue_indirect_dma source(%dma_start3A_428 : memref<100000x64xf32, #tpu.memory_space<hbm>>) target(%dma_start3A_422 : memref<128x64xf32, #tpu.memory_space<vmem>>) offsets(%dma_start3A_425 : memref<128xi32, #tpu.memory_space<vmem>>) semaphore(%arg7 : memref<!tpu.dma_semaphore, #tpu.memory_space<semaphore_mem>>)
      %mul3A_429 = arith.constant 5 : i32
      %mul3A_430 = arith.muli %add3A_392, %mul3A_429 : i32
      %add3A_431 = arith.constant 2 : i32
      %add3A_432 = arith.addi %mul3A_430, %add3A_431 : i32
      %dma_start3A_433 = arith.constant 0 : i32
      %dma_start3A_434 = arith.constant 0 : i32
      %dma_start3A_435 = arith.constant 0 : i32
      %dma_start3A_436 = tpu.memref_slice %arg6[%dma_start3A_433, %dma_start3A_434, %dma_start3A_435] : memref<2x640x64xf32, #tpu.memory_space<vmem>> -> memref<1x640x64xf32, #tpu.memory_space<vmem>>
      %dma_start3A_437 = tpu.memref_squeeze %dma_start3A_436 : memref<1x640x64xf32, #tpu.memory_space<vmem>> -> memref<640x64xf32, #tpu.memory_space<vmem>>
      %dma_start3A_438 = arith.constant 256 : i32
      %dma_start3A_439 = arith.constant 0 : i32
      %dma_start3A_440 = tpu.memref_slice %dma_start3A_437[%dma_start3A_438, %dma_start3A_439] : memref<640x64xf32, #tpu.memory_space<vmem>> -> memref<128x64xf32, #tpu.memory_space<vmem>>
      %dma_start3A_441 = arith.constant 0 : i32
      %dma_start3A_442 = tpu.memref_slice %arg5[%add3A_432, %dma_start3A_441] : memref<200x128xi32, #tpu.memory_space<vmem>> -> memref<1x128xi32, #tpu.memory_space<vmem>>
      %dma_start3A_443 = tpu.memref_squeeze %dma_start3A_442 : memref<1x128xi32, #tpu.memory_space<vmem>> -> memref<128xi32, #tpu.memory_space<vmem>>
      %dma_start3A_444 = arith.constant 0 : i32
      %dma_start3A_445 = arith.constant 0 : i32
      %dma_start3A_446 = tpu.memref_slice %arg2[%dma_start3A_444, %dma_start3A_445] : memref<100000x64xf32, #tpu.memory_space<hbm>> -> memref<100000x64xf32, #tpu.memory_space<hbm>>
      tpu.enqueue_indirect_dma source(%dma_start3A_446 : memref<100000x64xf32, #tpu.memory_space<hbm>>) target(%dma_start3A_440 : memref<128x64xf32, #tpu.memory_space<vmem>>) offsets(%dma_start3A_443 : memref<128xi32, #tpu.memory_space<vmem>>) semaphore(%arg7 : memref<!tpu.dma_semaphore, #tpu.memory_space<semaphore_mem>>)
      %mul3A_447 = arith.constant 5 : i32
      %mul3A_448 = arith.muli %add3A_392, %mul3A_447 : i32
      %add3A_449 = arith.constant 3 : i32
      %add3A_450 = arith.addi %mul3A_448, %add3A_449 : i32
      %dma_start3A_451 = arith.constant 0 : i32
      %dma_start3A_452 = arith.constant 0 : i32
      %dma_start3A_453 = arith.constant 0 : i32
      %dma_start3A_454 = tpu.memref_slice %arg6[%dma_start3A_451, %dma_start3A_452, %dma_start3A_453] : memref<2x640x64xf32, #tpu.memory_space<vmem>> -> memref<1x640x64xf32, #tpu.memory_space<vmem>>
      %dma_start3A_455 = tpu.memref_squeeze %dma_start3A_454 : memref<1x640x64xf32, #tpu.memory_space<vmem>> -> memref<640x64xf32, #tpu.memory_space<vmem>>
      %dma_start3A_456 = arith.constant 384 : i32
      %dma_start3A_457 = arith.constant 0 : i32
      %dma_start3A_458 = tpu.memref_slice %dma_start3A_455[%dma_start3A_456, %dma_start3A_457] : memref<640x64xf32, #tpu.memory_space<vmem>> -> memref<128x64xf32, #tpu.memory_space<vmem>>
      %dma_start3A_459 = arith.constant 0 : i32
      %dma_start3A_460 = tpu.memref_slice %arg5[%add3A_450, %dma_start3A_459] : memref<200x128xi32, #tpu.memory_space<vmem>> -> memref<1x128xi32, #tpu.memory_space<vmem>>
      %dma_start3A_461 = tpu.memref_squeeze %dma_start3A_460 : memref<1x128xi32, #tpu.memory_space<vmem>> -> memref<128xi32, #tpu.memory_space<vmem>>
      %dma_start3A_462 = arith.constant 0 : i32
      %dma_start3A_463 = arith.constant 0 : i32
      %dma_start3A_464 = tpu.memref_slice %arg2[%dma_start3A_462, %dma_start3A_463] : memref<100000x64xf32, #tpu.memory_space<hbm>> -> memref<100000x64xf32, #tpu.memory_space<hbm>>
      tpu.enqueue_indirect_dma source(%dma_start3A_464 : memref<100000x64xf32, #tpu.memory_space<hbm>>) target(%dma_start3A_458 : memref<128x64xf32, #tpu.memory_space<vmem>>) offsets(%dma_start3A_461 : memref<128xi32, #tpu.memory_space<vmem>>) semaphore(%arg7 : memref<!tpu.dma_semaphore, #tpu.memory_space<semaphore_mem>>)
      %mul3A_465 = arith.constant 5 : i32
      %mul3A_466 = arith.muli %add3A_392, %mul3A_465 : i32
      %add3A_467 = arith.constant 4 : i32
      %add3A_468 = arith.addi %mul3A_466, %add3A_467 : i32
      %dma_start3A_469 = arith.constant 0 : i32
      %dma_start3A_470 = arith.constant 0 : i32
      %dma_start3A_471 = arith.constant 0 : i32
      %dma_start3A_472 = tpu.memref_slice %arg6[%dma_start3A_469, %dma_start3A_470, %dma_start3A_471] : memref<2x640x64xf32, #tpu.memory_space<vmem>> -> memref<1x640x64xf32, #tpu.memory_space<vmem>>
      %dma_start3A_473 = tpu.memref_squeeze %dma_start3A_472 : memref<1x640x64xf32, #tpu.memory_space<vmem>> -> memref<640x64xf32, #tpu.memory_space<vmem>>
      %dma_start3A_474 = arith.constant 512 : i32
      %dma_start3A_475 = arith.constant 0 : i32
      %dma_start3A_476 = tpu.memref_slice %dma_start3A_473[%dma_start3A_474, %dma_start3A_475] : memref<640x64xf32, #tpu.memory_space<vmem>> -> memref<128x64xf32, #tpu.memory_space<vmem>>
      %dma_start3A_477 = arith.constant 0 : i32
      %dma_start3A_478 = tpu.memref_slice %arg5[%add3A_468, %dma_start3A_477] : memref<200x128xi32, #tpu.memory_space<vmem>> -> memref<1x128xi32, #tpu.memory_space<vmem>>
      %dma_start3A_479 = tpu.memref_squeeze %dma_start3A_478 : memref<1x128xi32, #tpu.memory_space<vmem>> -> memref<128xi32, #tpu.memory_space<vmem>>
      %dma_start3A_480 = arith.constant 0 : i32
      %dma_start3A_481 = arith.constant 0 : i32
      %dma_start3A_482 = tpu.memref_slice %arg2[%dma_start3A_480, %dma_start3A_481] : memref<100000x64xf32, #tpu.memory_space<hbm>> -> memref<100000x64xf32, #tpu.memory_space<hbm>>
      tpu.enqueue_indirect_dma source(%dma_start3A_482 : memref<100000x64xf32, #tpu.memory_space<hbm>>) target(%dma_start3A_476 : memref<128x64xf32, #tpu.memory_space<vmem>>) offsets(%dma_start3A_479 : memref<128xi32, #tpu.memory_space<vmem>>) semaphore(%arg7 : memref<!tpu.dma_semaphore, #tpu.memory_space<semaphore_mem>>)
      %mul3A_483 = arith.constant 5 : i32
      %mul3A_484 = arith.muli %add3A_392, %mul3A_483 : i32
      %add3A_485 = arith.constant 0 : i32
      %add3A_486 = arith.addi %mul3A_484, %add3A_485 : i32
      %dma_wait3A_487 = arith.constant 0 : i32
      %dma_wait3A_488 = arith.constant 0 : i32
      %dma_wait3A_489 = arith.constant 0 : i32
      %dma_wait3A_490 = tpu.memref_slice %arg6[%dma_wait3A_487, %dma_wait3A_488, %dma_wait3A_489] : memref<2x640x64xf32, #tpu.memory_space<vmem>> -> memref<1x640x64xf32, #tpu.memory_space<vmem>>
      %dma_wait3A_491 = tpu.memref_squeeze %dma_wait3A_490 : memref<1x640x64xf32, #tpu.memory_space<vmem>> -> memref<640x64xf32, #tpu.memory_space<vmem>>
      %dma_wait3A_492 = arith.constant 0 : i32
      %dma_wait3A_493 = arith.constant 0 : i32
      %dma_wait3A_494 = tpu.memref_slice %dma_wait3A_491[%dma_wait3A_492, %dma_wait3A_493] : memref<640x64xf32, #tpu.memory_space<vmem>> -> memref<128x64xf32, #tpu.memory_space<vmem>>
      %dma_wait3A_495 = arith.constant 0 : i32
      %dma_wait3A_496 = tpu.memref_slice %arg5[%add3A_486, %dma_wait3A_495] : memref<200x128xi32, #tpu.memory_space<vmem>> -> memref<1x128xi32, #tpu.memory_space<vmem>>
      %dma_wait3A_497 = tpu.memref_squeeze %dma_wait3A_496 : memref<1x128xi32, #tpu.memory_space<vmem>> -> memref<128xi32, #tpu.memory_space<vmem>>
      %dma_wait3A_498 = arith.constant 0 : i32
      %dma_wait3A_499 = arith.constant 0 : i32
      %dma_wait3A_500 = tpu.memref_slice %arg2[%dma_wait3A_498, %dma_wait3A_499] : memref<100000x64xf32, #tpu.memory_space<hbm>> -> memref<100000x64xf32, #tpu.memory_space<hbm>>
      tpu.wait_indirect_dma semaphore(%arg7 : memref<!tpu.dma_semaphore, #tpu.memory_space<semaphore_mem>>) src(%dma_wait3A_500 : memref<100000x64xf32, #tpu.memory_space<hbm>>) dst(%dma_wait3A_494 : memref<128x64xf32, #tpu.memory_space<vmem>>)
      %mul3A_501 = arith.constant 5 : i32
      %mul3A_502 = arith.muli %add3A_392, %mul3A_501 : i32
      %add3A_503 = arith.constant 1 : i32
      %add3A_504 = arith.addi %mul3A_502, %add3A_503 : i32
      %dma_wait3A_505 = arith.constant 0 : i32
      %dma_wait3A_506 = arith.constant 0 : i32
      %dma_wait3A_507 = arith.constant 0 : i32
      %dma_wait3A_508 = tpu.memref_slice %arg6[%dma_wait3A_505, %dma_wait3A_506, %dma_wait3A_507] : memref<2x640x64xf32, #tpu.memory_space<vmem>> -> memref<1x640x64xf32, #tpu.memory_space<vmem>>
      %dma_wait3A_509 = tpu.memref_squeeze %dma_wait3A_508 : memref<1x640x64xf32, #tpu.memory_space<vmem>> -> memref<640x64xf32, #tpu.memory_space<vmem>>
      %dma_wait3A_510 = arith.constant 128 : i32
      %dma_wait3A_511 = arith.constant 0 : i32
      %dma_wait3A_512 = tpu.memref_slice %dma_wait3A_509[%dma_wait3A_510, %dma_wait3A_511] : memref<640x64xf32, #tpu.memory_space<vmem>> -> memref<128x64xf32, #tpu.memory_space<vmem>>
      %dma_wait3A_513 = arith.constant 0 : i32
      %dma_wait3A_514 = tpu.memref_slice %arg5[%add3A_504, %dma_wait3A_513] : memref<200x128xi32, #tpu.memory_space<vmem>> -> memref<1x128xi32, #tpu.memory_space<vmem>>
      %dma_wait3A_515 = tpu.memref_squeeze %dma_wait3A_514 : memref<1x128xi32, #tpu.memory_space<vmem>> -> memref<128xi32, #tpu.memory_space<vmem>>
      %dma_wait3A_516 = arith.constant 0 : i32
      %dma_wait3A_517 = arith.constant 0 : i32
      %dma_wait3A_518 = tpu.memref_slice %arg2[%dma_wait3A_516, %dma_wait3A_517] : memref<100000x64xf32, #tpu.memory_space<hbm>> -> memref<100000x64xf32, #tpu.memory_space<hbm>>
      tpu.wait_indirect_dma semaphore(%arg7 : memref<!tpu.dma_semaphore, #tpu.memory_space<semaphore_mem>>) src(%dma_wait3A_518 : memref<100000x64xf32, #tpu.memory_space<hbm>>) dst(%dma_wait3A_512 : memref<128x64xf32, #tpu.memory_space<vmem>>)
      %mul3A_519 = arith.constant 5 : i32
      %mul3A_520 = arith.muli %add3A_392, %mul3A_519 : i32
      %add3A_521 = arith.constant 2 : i32
      %add3A_522 = arith.addi %mul3A_520, %add3A_521 : i32
      %dma_wait3A_523 = arith.constant 0 : i32
      %dma_wait3A_524 = arith.constant 0 : i32
      %dma_wait3A_525 = arith.constant 0 : i32
      %dma_wait3A_526 = tpu.memref_slice %arg6[%dma_wait3A_523, %dma_wait3A_524, %dma_wait3A_525] : memref<2x640x64xf32, #tpu.memory_space<vmem>> -> memref<1x640x64xf32, #tpu.memory_space<vmem>>
      %dma_wait3A_527 = tpu.memref_squeeze %dma_wait3A_526 : memref<1x640x64xf32, #tpu.memory_space<vmem>> -> memref<640x64xf32, #tpu.memory_space<vmem>>
      %dma_wait3A_528 = arith.constant 256 : i32
      %dma_wait3A_529 = arith.constant 0 : i32
      %dma_wait3A_530 = tpu.memref_slice %dma_wait3A_527[%dma_wait3A_528, %dma_wait3A_529] : memref<640x64xf32, #tpu.memory_space<vmem>> -> memref<128x64xf32, #tpu.memory_space<vmem>>
      %dma_wait3A_531 = arith.constant 0 : i32
      %dma_wait3A_532 = tpu.memref_slice %arg5[%add3A_522, %dma_wait3A_531] : memref<200x128xi32, #tpu.memory_space<vmem>> -> memref<1x128xi32, #tpu.memory_space<vmem>>
      %dma_wait3A_533 = tpu.memref_squeeze %dma_wait3A_532 : memref<1x128xi32, #tpu.memory_space<vmem>> -> memref<128xi32, #tpu.memory_space<vmem>>
      %dma_wait3A_534 = arith.constant 0 : i32
      %dma_wait3A_535 = arith.constant 0 : i32
      %dma_wait3A_536 = tpu.memref_slice %arg2[%dma_wait3A_534, %dma_wait3A_535] : memref<100000x64xf32, #tpu.memory_space<hbm>> -> memref<100000x64xf32, #tpu.memory_space<hbm>>
      tpu.wait_indirect_dma semaphore(%arg7 : memref<!tpu.dma_semaphore, #tpu.memory_space<semaphore_mem>>) src(%dma_wait3A_536 : memref<100000x64xf32, #tpu.memory_space<hbm>>) dst(%dma_wait3A_530 : memref<128x64xf32, #tpu.memory_space<vmem>>)
      %mul3A_537 = arith.constant 5 : i32
      %mul3A_538 = arith.muli %add3A_392, %mul3A_537 : i32
      %add3A_539 = arith.constant 3 : i32
      %add3A_540 = arith.addi %mul3A_538, %add3A_539 : i32
      %dma_wait3A_541 = arith.constant 0 : i32
      %dma_wait3A_542 = arith.constant 0 : i32
      %dma_wait3A_543 = arith.constant 0 : i32
      %dma_wait3A_544 = tpu.memref_slice %arg6[%dma_wait3A_541, %dma_wait3A_542, %dma_wait3A_543] : memref<2x640x64xf32, #tpu.memory_space<vmem>> -> memref<1x640x64xf32, #tpu.memory_space<vmem>>
      %dma_wait3A_545 = tpu.memref_squeeze %dma_wait3A_544 : memref<1x640x64xf32, #tpu.memory_space<vmem>> -> memref<640x64xf32, #tpu.memory_space<vmem>>
      %dma_wait3A_546 = arith.constant 384 : i32
      %dma_wait3A_547 = arith.constant 0 : i32
      %dma_wait3A_548 = tpu.memref_slice %dma_wait3A_545[%dma_wait3A_546, %dma_wait3A_547] : memref<640x64xf32, #tpu.memory_space<vmem>> -> memref<128x64xf32, #tpu.memory_space<vmem>>
      %dma_wait3A_549 = arith.constant 0 : i32
      %dma_wait3A_550 = tpu.memref_slice %arg5[%add3A_540, %dma_wait3A_549] : memref<200x128xi32, #tpu.memory_space<vmem>> -> memref<1x128xi32, #tpu.memory_space<vmem>>
      %dma_wait3A_551 = tpu.memref_squeeze %dma_wait3A_550 : memref<1x128xi32, #tpu.memory_space<vmem>> -> memref<128xi32, #tpu.memory_space<vmem>>
      %dma_wait3A_552 = arith.constant 0 : i32
      %dma_wait3A_553 = arith.constant 0 : i32
      %dma_wait3A_554 = tpu.memref_slice %arg2[%dma_wait3A_552, %dma_wait3A_553] : memref<100000x64xf32, #tpu.memory_space<hbm>> -> memref<100000x64xf32, #tpu.memory_space<hbm>>
      tpu.wait_indirect_dma semaphore(%arg7 : memref<!tpu.dma_semaphore, #tpu.memory_space<semaphore_mem>>) src(%dma_wait3A_554 : memref<100000x64xf32, #tpu.memory_space<hbm>>) dst(%dma_wait3A_548 : memref<128x64xf32, #tpu.memory_space<vmem>>)
      %mul3A_555 = arith.constant 5 : i32
      %mul3A_556 = arith.muli %add3A_392, %mul3A_555 : i32
      %add3A_557 = arith.constant 4 : i32
      %add3A_558 = arith.addi %mul3A_556, %add3A_557 : i32
      %dma_wait3A_559 = arith.constant 0 : i32
      %dma_wait3A_560 = arith.constant 0 : i32
      %dma_wait3A_561 = arith.constant 0 : i32
      %dma_wait3A_562 = tpu.memref_slice %arg6[%dma_wait3A_559, %dma_wait3A_560, %dma_wait3A_561] : memref<2x640x64xf32, #tpu.memory_space<vmem>> -> memref<1x640x64xf32, #tpu.memory_space<vmem>>
      %dma_wait3A_563 = tpu.memref_squeeze %dma_wait3A_562 : memref<1x640x64xf32, #tpu.memory_space<vmem>> -> memref<640x64xf32, #tpu.memory_space<vmem>>
      %dma_wait3A_564 = arith.constant 512 : i32
      %dma_wait3A_565 = arith.constant 0 : i32
      %dma_wait3A_566 = tpu.memref_slice %dma_wait3A_563[%dma_wait3A_564, %dma_wait3A_565] : memref<640x64xf32, #tpu.memory_space<vmem>> -> memref<128x64xf32, #tpu.memory_space<vmem>>
      %dma_wait3A_567 = arith.constant 0 : i32
      %dma_wait3A_568 = tpu.memref_slice %arg5[%add3A_558, %dma_wait3A_567] : memref<200x128xi32, #tpu.memory_space<vmem>> -> memref<1x128xi32, #tpu.memory_space<vmem>>
      %dma_wait3A_569 = tpu.memref_squeeze %dma_wait3A_568 : memref<1x128xi32, #tpu.memory_space<vmem>> -> memref<128xi32, #tpu.memory_space<vmem>>
      %dma_wait3A_570 = arith.constant 0 : i32
      %dma_wait3A_571 = arith.constant 0 : i32
      %dma_wait3A_572 = tpu.memref_slice %arg2[%dma_wait3A_570, %dma_wait3A_571] : memref<100000x64xf32, #tpu.memory_space<hbm>> -> memref<100000x64xf32, #tpu.memory_space<hbm>>
      tpu.wait_indirect_dma semaphore(%arg7 : memref<!tpu.dma_semaphore, #tpu.memory_space<semaphore_mem>>) src(%dma_wait3A_572 : memref<100000x64xf32, #tpu.memory_space<hbm>>) dst(%dma_wait3A_566 : memref<128x64xf32, #tpu.memory_space<vmem>>)
      %mul3A_573 = arith.constant 640 : i32
      %mul3A_574 = arith.muli %add3A_392, %mul3A_573 : i32
      %add3A_575 = arith.addi %mul3A_2, %mul3A_574 : i32
      %dma_start3A_576 = arith.constant 0 : i32
      %dma_start3A_577 = arith.constant 0 : i32
      %dma_start3A_578 = arith.constant 0 : i32
      %dma_start3A_579 = tpu.memref_slice %arg6[%dma_start3A_576, %dma_start3A_577, %dma_start3A_578] : memref<2x640x64xf32, #tpu.memory_space<vmem>> -> memref<1x640x64xf32, #tpu.memory_space<vmem>>
      %dma_start3A_580 = tpu.memref_squeeze %dma_start3A_579 : memref<1x640x64xf32, #tpu.memory_space<vmem>> -> memref<640x64xf32, #tpu.memory_space<vmem>>
      %dma_start3A_581 = arith.constant 0 : i32
      %dma_start3A_582 = tpu.memref_slice %arg4[%add3A_575, %dma_start3A_581] : memref<819200x128xf32, #tpu.memory_space<hbm>> -> memref<640x64xf32, #tpu.memory_space<hbm>>
      %dma_start3A_583 = arith.constant 0 : i32
      %dma_start3A_584 = tpu.memref_slice %arg4[%add3A_575, %dma_start3A_583] : memref<819200x128xf32, #tpu.memory_space<hbm>> -> memref<640x64xf32, #tpu.memory_space<hbm>>
      %dma_start3A_585 = arith.constant 0 : i32
      %dma_start3A_586 = arith.constant 0 : i32
      %dma_start3A_587 = tpu.memref_slice %arg6[%dma_start3A_576, %dma_start3A_585, %dma_start3A_586] : memref<2x640x64xf32, #tpu.memory_space<vmem>> -> memref<1x640x64xf32, #tpu.memory_space<vmem>>
      %dma_start3A_588 = tpu.memref_squeeze %dma_start3A_587 : memref<1x640x64xf32, #tpu.memory_space<vmem>> -> memref<640x64xf32, #tpu.memory_space<vmem>>
      tpu.enqueue_dma source(%dma_start3A_588 : memref<640x64xf32, #tpu.memory_space<vmem>>) target(%dma_start3A_584 : memref<640x64xf32, #tpu.memory_space<hbm>>) target_semaphore(%arg8 : memref<!tpu.dma_semaphore, #tpu.memory_space<semaphore_mem>>)
      %add3A_589 = arith.constant 1 : i32
      %add3A_590 = arith.addi %add3A_371, %add3A_589 : i32
      %sub3A_591 = arith.constant 2 : i32
      %sub3A_592 = arith.subi %add3A_590, %sub3A_591 : i32
      %mul3A_593 = arith.constant 640 : i32
      %mul3A_594 = arith.muli %sub3A_592, %mul3A_593 : i32
      %add3A_595 = arith.addi %mul3A_2, %mul3A_594 : i32
      %dma_wait3A_596 = arith.constant 1 : i32
      %dma_wait3A_597 = arith.constant 0 : i32
      %dma_wait3A_598 = arith.constant 0 : i32
      %dma_wait3A_599 = tpu.memref_slice %arg6[%dma_wait3A_596, %dma_wait3A_597, %dma_wait3A_598] : memref<2x640x64xf32, #tpu.memory_space<vmem>> -> memref<1x640x64xf32, #tpu.memory_space<vmem>>
      %dma_wait3A_600 = tpu.memref_squeeze %dma_wait3A_599 : memref<1x640x64xf32, #tpu.memory_space<vmem>> -> memref<640x64xf32, #tpu.memory_space<vmem>>
      %dma_wait3A_601 = arith.constant 0 : i32
      %dma_wait3A_602 = tpu.memref_slice %arg4[%add3A_595, %dma_wait3A_601] : memref<819200x128xf32, #tpu.memory_space<hbm>> -> memref<640x64xf32, #tpu.memory_space<hbm>>
      %dma_wait3A_603 = arith.constant 0 : i32
      %dma_wait3A_604 = tpu.memref_slice %arg4[%add3A_595, %dma_wait3A_603] : memref<819200x128xf32, #tpu.memory_space<hbm>> -> memref<640x64xf32, #tpu.memory_space<hbm>>
      %dma_wait3A_605 = arith.constant 0 : i32
      %dma_wait3A_606 = arith.constant 0 : i32
      %dma_wait3A_607 = tpu.memref_slice %arg6[%dma_wait3A_596, %dma_wait3A_605, %dma_wait3A_606] : memref<2x640x64xf32, #tpu.memory_space<vmem>> -> memref<1x640x64xf32, #tpu.memory_space<vmem>>
      %dma_wait3A_608 = tpu.memref_squeeze %dma_wait3A_607 : memref<1x640x64xf32, #tpu.memory_space<vmem>> -> memref<640x64xf32, #tpu.memory_space<vmem>>
      tpu.wait_dma2 semaphore(%arg9 : memref<!tpu.dma_semaphore, #tpu.memory_space<semaphore_mem>>) src(%dma_wait3A_608 : memref<640x64xf32, #tpu.memory_space<vmem>>) dst(%dma_wait3A_604 : memref<640x64xf32, #tpu.memory_space<hbm>>)
      %add3A_609 = arith.constant 1 : i32
      %add3A_610 = arith.addi %add3A_371, %add3A_609 : i32
      %mul3A_611 = arith.constant 5 : i32
      %mul3A_612 = arith.muli %add3A_610, %mul3A_611 : i32
      %add3A_613 = arith.constant 0 : i32
      %add3A_614 = arith.addi %mul3A_612, %add3A_613 : i32
      %dma_start3A_615 = arith.constant 1 : i32
      %dma_start3A_616 = arith.constant 0 : i32
      %dma_start3A_617 = arith.constant 0 : i32
      %dma_start3A_618 = tpu.memref_slice %arg6[%dma_start3A_615, %dma_start3A_616, %dma_start3A_617] : memref<2x640x64xf32, #tpu.memory_space<vmem>> -> memref<1x640x64xf32, #tpu.memory_space<vmem>>
      %dma_start3A_619 = tpu.memref_squeeze %dma_start3A_618 : memref<1x640x64xf32, #tpu.memory_space<vmem>> -> memref<640x64xf32, #tpu.memory_space<vmem>>
      %dma_start3A_620 = arith.constant 0 : i32
      %dma_start3A_621 = arith.constant 0 : i32
      %dma_start3A_622 = tpu.memref_slice %dma_start3A_619[%dma_start3A_620, %dma_start3A_621] : memref<640x64xf32, #tpu.memory_space<vmem>> -> memref<128x64xf32, #tpu.memory_space<vmem>>
      %dma_start3A_623 = arith.constant 0 : i32
      %dma_start3A_624 = tpu.memref_slice %arg5[%add3A_614, %dma_start3A_623] : memref<200x128xi32, #tpu.memory_space<vmem>> -> memref<1x128xi32, #tpu.memory_space<vmem>>
      %dma_start3A_625 = tpu.memref_squeeze %dma_start3A_624 : memref<1x128xi32, #tpu.memory_space<vmem>> -> memref<128xi32, #tpu.memory_space<vmem>>
      %dma_start3A_626 = arith.constant 0 : i32
      %dma_start3A_627 = arith.constant 0 : i32
      %dma_start3A_628 = tpu.memref_slice %arg2[%dma_start3A_626, %dma_start3A_627] : memref<100000x64xf32, #tpu.memory_space<hbm>> -> memref<100000x64xf32, #tpu.memory_space<hbm>>
      tpu.enqueue_indirect_dma source(%dma_start3A_628 : memref<100000x64xf32, #tpu.memory_space<hbm>>) target(%dma_start3A_622 : memref<128x64xf32, #tpu.memory_space<vmem>>) offsets(%dma_start3A_625 : memref<128xi32, #tpu.memory_space<vmem>>) semaphore(%arg7 : memref<!tpu.dma_semaphore, #tpu.memory_space<semaphore_mem>>)
      %mul3A_629 = arith.constant 5 : i32
      %mul3A_630 = arith.muli %add3A_610, %mul3A_629 : i32
      %add3A_631 = arith.constant 1 : i32
      %add3A_632 = arith.addi %mul3A_630, %add3A_631 : i32
      %dma_start3A_633 = arith.constant 1 : i32
      %dma_start3A_634 = arith.constant 0 : i32
      %dma_start3A_635 = arith.constant 0 : i32
      %dma_start3A_636 = tpu.memref_slice %arg6[%dma_start3A_633, %dma_start3A_634, %dma_start3A_635] : memref<2x640x64xf32, #tpu.memory_space<vmem>> -> memref<1x640x64xf32, #tpu.memory_space<vmem>>
      %dma_start3A_637 = tpu.memref_squeeze %dma_start3A_636 : memref<1x640x64xf32, #tpu.memory_space<vmem>> -> memref<640x64xf32, #tpu.memory_space<vmem>>
      %dma_start3A_638 = arith.constant 128 : i32
      %dma_start3A_639 = arith.constant 0 : i32
      %dma_start3A_640 = tpu.memref_slice %dma_start3A_637[%dma_start3A_638, %dma_start3A_639] : memref<640x64xf32, #tpu.memory_space<vmem>> -> memref<128x64xf32, #tpu.memory_space<vmem>>
      %dma_start3A_641 = arith.constant 0 : i32
      %dma_start3A_642 = tpu.memref_slice %arg5[%add3A_632, %dma_start3A_641] : memref<200x128xi32, #tpu.memory_space<vmem>> -> memref<1x128xi32, #tpu.memory_space<vmem>>
      %dma_start3A_643 = tpu.memref_squeeze %dma_start3A_642 : memref<1x128xi32, #tpu.memory_space<vmem>> -> memref<128xi32, #tpu.memory_space<vmem>>
      %dma_start3A_644 = arith.constant 0 : i32
      %dma_start3A_645 = arith.constant 0 : i32
      %dma_start3A_646 = tpu.memref_slice %arg2[%dma_start3A_644, %dma_start3A_645] : memref<100000x64xf32, #tpu.memory_space<hbm>> -> memref<100000x64xf32, #tpu.memory_space<hbm>>
      tpu.enqueue_indirect_dma source(%dma_start3A_646 : memref<100000x64xf32, #tpu.memory_space<hbm>>) target(%dma_start3A_640 : memref<128x64xf32, #tpu.memory_space<vmem>>) offsets(%dma_start3A_643 : memref<128xi32, #tpu.memory_space<vmem>>) semaphore(%arg7 : memref<!tpu.dma_semaphore, #tpu.memory_space<semaphore_mem>>)
      %mul3A_647 = arith.constant 5 : i32
      %mul3A_648 = arith.muli %add3A_610, %mul3A_647 : i32
      %add3A_649 = arith.constant 2 : i32
      %add3A_650 = arith.addi %mul3A_648, %add3A_649 : i32
      %dma_start3A_651 = arith.constant 1 : i32
      %dma_start3A_652 = arith.constant 0 : i32
      %dma_start3A_653 = arith.constant 0 : i32
      %dma_start3A_654 = tpu.memref_slice %arg6[%dma_start3A_651, %dma_start3A_652, %dma_start3A_653] : memref<2x640x64xf32, #tpu.memory_space<vmem>> -> memref<1x640x64xf32, #tpu.memory_space<vmem>>
      %dma_start3A_655 = tpu.memref_squeeze %dma_start3A_654 : memref<1x640x64xf32, #tpu.memory_space<vmem>> -> memref<640x64xf32, #tpu.memory_space<vmem>>
      %dma_start3A_656 = arith.constant 256 : i32
      %dma_start3A_657 = arith.constant 0 : i32
      %dma_start3A_658 = tpu.memref_slice %dma_start3A_655[%dma_start3A_656, %dma_start3A_657] : memref<640x64xf32, #tpu.memory_space<vmem>> -> memref<128x64xf32, #tpu.memory_space<vmem>>
      %dma_start3A_659 = arith.constant 0 : i32
      %dma_start3A_660 = tpu.memref_slice %arg5[%add3A_650, %dma_start3A_659] : memref<200x128xi32, #tpu.memory_space<vmem>> -> memref<1x128xi32, #tpu.memory_space<vmem>>
      %dma_start3A_661 = tpu.memref_squeeze %dma_start3A_660 : memref<1x128xi32, #tpu.memory_space<vmem>> -> memref<128xi32, #tpu.memory_space<vmem>>
      %dma_start3A_662 = arith.constant 0 : i32
      %dma_start3A_663 = arith.constant 0 : i32
      %dma_start3A_664 = tpu.memref_slice %arg2[%dma_start3A_662, %dma_start3A_663] : memref<100000x64xf32, #tpu.memory_space<hbm>> -> memref<100000x64xf32, #tpu.memory_space<hbm>>
      tpu.enqueue_indirect_dma source(%dma_start3A_664 : memref<100000x64xf32, #tpu.memory_space<hbm>>) target(%dma_start3A_658 : memref<128x64xf32, #tpu.memory_space<vmem>>) offsets(%dma_start3A_661 : memref<128xi32, #tpu.memory_space<vmem>>) semaphore(%arg7 : memref<!tpu.dma_semaphore, #tpu.memory_space<semaphore_mem>>)
      %mul3A_665 = arith.constant 5 : i32
      %mul3A_666 = arith.muli %add3A_610, %mul3A_665 : i32
      %add3A_667 = arith.constant 3 : i32
      %add3A_668 = arith.addi %mul3A_666, %add3A_667 : i32
      %dma_start3A_669 = arith.constant 1 : i32
      %dma_start3A_670 = arith.constant 0 : i32
      %dma_start3A_671 = arith.constant 0 : i32
      %dma_start3A_672 = tpu.memref_slice %arg6[%dma_start3A_669, %dma_start3A_670, %dma_start3A_671] : memref<2x640x64xf32, #tpu.memory_space<vmem>> -> memref<1x640x64xf32, #tpu.memory_space<vmem>>
      %dma_start3A_673 = tpu.memref_squeeze %dma_start3A_672 : memref<1x640x64xf32, #tpu.memory_space<vmem>> -> memref<640x64xf32, #tpu.memory_space<vmem>>
      %dma_start3A_674 = arith.constant 384 : i32
      %dma_start3A_675 = arith.constant 0 : i32
      %dma_start3A_676 = tpu.memref_slice %dma_start3A_673[%dma_start3A_674, %dma_start3A_675] : memref<640x64xf32, #tpu.memory_space<vmem>> -> memref<128x64xf32, #tpu.memory_space<vmem>>
      %dma_start3A_677 = arith.constant 0 : i32
      %dma_start3A_678 = tpu.memref_slice %arg5[%add3A_668, %dma_start3A_677] : memref<200x128xi32, #tpu.memory_space<vmem>> -> memref<1x128xi32, #tpu.memory_space<vmem>>
      %dma_start3A_679 = tpu.memref_squeeze %dma_start3A_678 : memref<1x128xi32, #tpu.memory_space<vmem>> -> memref<128xi32, #tpu.memory_space<vmem>>
      %dma_start3A_680 = arith.constant 0 : i32
      %dma_start3A_681 = arith.constant 0 : i32
      %dma_start3A_682 = tpu.memref_slice %arg2[%dma_start3A_680, %dma_start3A_681] : memref<100000x64xf32, #tpu.memory_space<hbm>> -> memref<100000x64xf32, #tpu.memory_space<hbm>>
      tpu.enqueue_indirect_dma source(%dma_start3A_682 : memref<100000x64xf32, #tpu.memory_space<hbm>>) target(%dma_start3A_676 : memref<128x64xf32, #tpu.memory_space<vmem>>) offsets(%dma_start3A_679 : memref<128xi32, #tpu.memory_space<vmem>>) semaphore(%arg7 : memref<!tpu.dma_semaphore, #tpu.memory_space<semaphore_mem>>)
      %mul3A_683 = arith.constant 5 : i32
      %mul3A_684 = arith.muli %add3A_610, %mul3A_683 : i32
      %add3A_685 = arith.constant 4 : i32
      %add3A_686 = arith.addi %mul3A_684, %add3A_685 : i32
      %dma_start3A_687 = arith.constant 1 : i32
      %dma_start3A_688 = arith.constant 0 : i32
      %dma_start3A_689 = arith.constant 0 : i32
      %dma_start3A_690 = tpu.memref_slice %arg6[%dma_start3A_687, %dma_start3A_688, %dma_start3A_689] : memref<2x640x64xf32, #tpu.memory_space<vmem>> -> memref<1x640x64xf32, #tpu.memory_space<vmem>>
      %dma_start3A_691 = tpu.memref_squeeze %dma_start3A_690 : memref<1x640x64xf32, #tpu.memory_space<vmem>> -> memref<640x64xf32, #tpu.memory_space<vmem>>
      %dma_start3A_692 = arith.constant 512 : i32
      %dma_start3A_693 = arith.constant 0 : i32
      %dma_start3A_694 = tpu.memref_slice %dma_start3A_691[%dma_start3A_692, %dma_start3A_693] : memref<640x64xf32, #tpu.memory_space<vmem>> -> memref<128x64xf32, #tpu.memory_space<vmem>>
      %dma_start3A_695 = arith.constant 0 : i32
      %dma_start3A_696 = tpu.memref_slice %arg5[%add3A_686, %dma_start3A_695] : memref<200x128xi32, #tpu.memory_space<vmem>> -> memref<1x128xi32, #tpu.memory_space<vmem>>
      %dma_start3A_697 = tpu.memref_squeeze %dma_start3A_696 : memref<1x128xi32, #tpu.memory_space<vmem>> -> memref<128xi32, #tpu.memory_space<vmem>>
      %dma_start3A_698 = arith.constant 0 : i32
      %dma_start3A_699 = arith.constant 0 : i32
      %dma_start3A_700 = tpu.memref_slice %arg2[%dma_start3A_698, %dma_start3A_699] : memref<100000x64xf32, #tpu.memory_space<hbm>> -> memref<100000x64xf32, #tpu.memory_space<hbm>>
      tpu.enqueue_indirect_dma source(%dma_start3A_700 : memref<100000x64xf32, #tpu.memory_space<hbm>>) target(%dma_start3A_694 : memref<128x64xf32, #tpu.memory_space<vmem>>) offsets(%dma_start3A_697 : memref<128xi32, #tpu.memory_space<vmem>>) semaphore(%arg7 : memref<!tpu.dma_semaphore, #tpu.memory_space<semaphore_mem>>)
      %mul3A_701 = arith.constant 5 : i32
      %mul3A_702 = arith.muli %add3A_610, %mul3A_701 : i32
      %add3A_703 = arith.constant 0 : i32
      %add3A_704 = arith.addi %mul3A_702, %add3A_703 : i32
      %dma_wait3A_705 = arith.constant 1 : i32
      %dma_wait3A_706 = arith.constant 0 : i32
      %dma_wait3A_707 = arith.constant 0 : i32
      %dma_wait3A_708 = tpu.memref_slice %arg6[%dma_wait3A_705, %dma_wait3A_706, %dma_wait3A_707] : memref<2x640x64xf32, #tpu.memory_space<vmem>> -> memref<1x640x64xf32, #tpu.memory_space<vmem>>
      %dma_wait3A_709 = tpu.memref_squeeze %dma_wait3A_708 : memref<1x640x64xf32, #tpu.memory_space<vmem>> -> memref<640x64xf32, #tpu.memory_space<vmem>>
      %dma_wait3A_710 = arith.constant 0 : i32
      %dma_wait3A_711 = arith.constant 0 : i32
      %dma_wait3A_712 = tpu.memref_slice %dma_wait3A_709[%dma_wait3A_710, %dma_wait3A_711] : memref<640x64xf32, #tpu.memory_space<vmem>> -> memref<128x64xf32, #tpu.memory_space<vmem>>
      %dma_wait3A_713 = arith.constant 0 : i32
      %dma_wait3A_714 = tpu.memref_slice %arg5[%add3A_704, %dma_wait3A_713] : memref<200x128xi32, #tpu.memory_space<vmem>> -> memref<1x128xi32, #tpu.memory_space<vmem>>
      %dma_wait3A_715 = tpu.memref_squeeze %dma_wait3A_714 : memref<1x128xi32, #tpu.memory_space<vmem>> -> memref<128xi32, #tpu.memory_space<vmem>>
      %dma_wait3A_716 = arith.constant 0 : i32
      %dma_wait3A_717 = arith.constant 0 : i32
      %dma_wait3A_718 = tpu.memref_slice %arg2[%dma_wait3A_716, %dma_wait3A_717] : memref<100000x64xf32, #tpu.memory_space<hbm>> -> memref<100000x64xf32, #tpu.memory_space<hbm>>
      tpu.wait_indirect_dma semaphore(%arg7 : memref<!tpu.dma_semaphore, #tpu.memory_space<semaphore_mem>>) src(%dma_wait3A_718 : memref<100000x64xf32, #tpu.memory_space<hbm>>) dst(%dma_wait3A_712 : memref<128x64xf32, #tpu.memory_space<vmem>>)
      %mul3A_719 = arith.constant 5 : i32
      %mul3A_720 = arith.muli %add3A_610, %mul3A_719 : i32
      %add3A_721 = arith.constant 1 : i32
      %add3A_722 = arith.addi %mul3A_720, %add3A_721 : i32
      %dma_wait3A_723 = arith.constant 1 : i32
      %dma_wait3A_724 = arith.constant 0 : i32
      %dma_wait3A_725 = arith.constant 0 : i32
      %dma_wait3A_726 = tpu.memref_slice %arg6[%dma_wait3A_723, %dma_wait3A_724, %dma_wait3A_725] : memref<2x640x64xf32, #tpu.memory_space<vmem>> -> memref<1x640x64xf32, #tpu.memory_space<vmem>>
      %dma_wait3A_727 = tpu.memref_squeeze %dma_wait3A_726 : memref<1x640x64xf32, #tpu.memory_space<vmem>> -> memref<640x64xf32, #tpu.memory_space<vmem>>
      %dma_wait3A_728 = arith.constant 128 : i32
      %dma_wait3A_729 = arith.constant 0 : i32
      %dma_wait3A_730 = tpu.memref_slice %dma_wait3A_727[%dma_wait3A_728, %dma_wait3A_729] : memref<640x64xf32, #tpu.memory_space<vmem>> -> memref<128x64xf32, #tpu.memory_space<vmem>>
      %dma_wait3A_731 = arith.constant 0 : i32
      %dma_wait3A_732 = tpu.memref_slice %arg5[%add3A_722, %dma_wait3A_731] : memref<200x128xi32, #tpu.memory_space<vmem>> -> memref<1x128xi32, #tpu.memory_space<vmem>>
      %dma_wait3A_733 = tpu.memref_squeeze %dma_wait3A_732 : memref<1x128xi32, #tpu.memory_space<vmem>> -> memref<128xi32, #tpu.memory_space<vmem>>
      %dma_wait3A_734 = arith.constant 0 : i32
      %dma_wait3A_735 = arith.constant 0 : i32
      %dma_wait3A_736 = tpu.memref_slice %arg2[%dma_wait3A_734, %dma_wait3A_735] : memref<100000x64xf32, #tpu.memory_space<hbm>> -> memref<100000x64xf32, #tpu.memory_space<hbm>>
      tpu.wait_indirect_dma semaphore(%arg7 : memref<!tpu.dma_semaphore, #tpu.memory_space<semaphore_mem>>) src(%dma_wait3A_736 : memref<100000x64xf32, #tpu.memory_space<hbm>>) dst(%dma_wait3A_730 : memref<128x64xf32, #tpu.memory_space<vmem>>)
      %mul3A_737 = arith.constant 5 : i32
      %mul3A_738 = arith.muli %add3A_610, %mul3A_737 : i32
      %add3A_739 = arith.constant 2 : i32
      %add3A_740 = arith.addi %mul3A_738, %add3A_739 : i32
      %dma_wait3A_741 = arith.constant 1 : i32
      %dma_wait3A_742 = arith.constant 0 : i32
      %dma_wait3A_743 = arith.constant 0 : i32
      %dma_wait3A_744 = tpu.memref_slice %arg6[%dma_wait3A_741, %dma_wait3A_742, %dma_wait3A_743] : memref<2x640x64xf32, #tpu.memory_space<vmem>> -> memref<1x640x64xf32, #tpu.memory_space<vmem>>
      %dma_wait3A_745 = tpu.memref_squeeze %dma_wait3A_744 : memref<1x640x64xf32, #tpu.memory_space<vmem>> -> memref<640x64xf32, #tpu.memory_space<vmem>>
      %dma_wait3A_746 = arith.constant 256 : i32
      %dma_wait3A_747 = arith.constant 0 : i32
      %dma_wait3A_748 = tpu.memref_slice %dma_wait3A_745[%dma_wait3A_746, %dma_wait3A_747] : memref<640x64xf32, #tpu.memory_space<vmem>> -> memref<128x64xf32, #tpu.memory_space<vmem>>
      %dma_wait3A_749 = arith.constant 0 : i32
      %dma_wait3A_750 = tpu.memref_slice %arg5[%add3A_740, %dma_wait3A_749] : memref<200x128xi32, #tpu.memory_space<vmem>> -> memref<1x128xi32, #tpu.memory_space<vmem>>
      %dma_wait3A_751 = tpu.memref_squeeze %dma_wait3A_750 : memref<1x128xi32, #tpu.memory_space<vmem>> -> memref<128xi32, #tpu.memory_space<vmem>>
      %dma_wait3A_752 = arith.constant 0 : i32
      %dma_wait3A_753 = arith.constant 0 : i32
      %dma_wait3A_754 = tpu.memref_slice %arg2[%dma_wait3A_752, %dma_wait3A_753] : memref<100000x64xf32, #tpu.memory_space<hbm>> -> memref<100000x64xf32, #tpu.memory_space<hbm>>
      tpu.wait_indirect_dma semaphore(%arg7 : memref<!tpu.dma_semaphore, #tpu.memory_space<semaphore_mem>>) src(%dma_wait3A_754 : memref<100000x64xf32, #tpu.memory_space<hbm>>) dst(%dma_wait3A_748 : memref<128x64xf32, #tpu.memory_space<vmem>>)
      %mul3A_755 = arith.constant 5 : i32
      %mul3A_756 = arith.muli %add3A_610, %mul3A_755 : i32
      %add3A_757 = arith.constant 3 : i32
      %add3A_758 = arith.addi %mul3A_756, %add3A_757 : i32
      %dma_wait3A_759 = arith.constant 1 : i32
      %dma_wait3A_760 = arith.constant 0 : i32
      %dma_wait3A_761 = arith.constant 0 : i32
      %dma_wait3A_762 = tpu.memref_slice %arg6[%dma_wait3A_759, %dma_wait3A_760, %dma_wait3A_761] : memref<2x640x64xf32, #tpu.memory_space<vmem>> -> memref<1x640x64xf32, #tpu.memory_space<vmem>>
      %dma_wait3A_763 = tpu.memref_squeeze %dma_wait3A_762 : memref<1x640x64xf32, #tpu.memory_space<vmem>> -> memref<640x64xf32, #tpu.memory_space<vmem>>
      %dma_wait3A_764 = arith.constant 384 : i32
      %dma_wait3A_765 = arith.constant 0 : i32
      %dma_wait3A_766 = tpu.memref_slice %dma_wait3A_763[%dma_wait3A_764, %dma_wait3A_765] : memref<640x64xf32, #tpu.memory_space<vmem>> -> memref<128x64xf32, #tpu.memory_space<vmem>>
      %dma_wait3A_767 = arith.constant 0 : i32
      %dma_wait3A_768 = tpu.memref_slice %arg5[%add3A_758, %dma_wait3A_767] : memref<200x128xi32, #tpu.memory_space<vmem>> -> memref<1x128xi32, #tpu.memory_space<vmem>>
      %dma_wait3A_769 = tpu.memref_squeeze %dma_wait3A_768 : memref<1x128xi32, #tpu.memory_space<vmem>> -> memref<128xi32, #tpu.memory_space<vmem>>
      %dma_wait3A_770 = arith.constant 0 : i32
      %dma_wait3A_771 = arith.constant 0 : i32
      %dma_wait3A_772 = tpu.memref_slice %arg2[%dma_wait3A_770, %dma_wait3A_771] : memref<100000x64xf32, #tpu.memory_space<hbm>> -> memref<100000x64xf32, #tpu.memory_space<hbm>>
      tpu.wait_indirect_dma semaphore(%arg7 : memref<!tpu.dma_semaphore, #tpu.memory_space<semaphore_mem>>) src(%dma_wait3A_772 : memref<100000x64xf32, #tpu.memory_space<hbm>>) dst(%dma_wait3A_766 : memref<128x64xf32, #tpu.memory_space<vmem>>)
      %mul3A_773 = arith.constant 5 : i32
      %mul3A_774 = arith.muli %add3A_610, %mul3A_773 : i32
      %add3A_775 = arith.constant 4 : i32
      %add3A_776 = arith.addi %mul3A_774, %add3A_775 : i32
      %dma_wait3A_777 = arith.constant 1 : i32
      %dma_wait3A_778 = arith.constant 0 : i32
      %dma_wait3A_779 = arith.constant 0 : i32
      %dma_wait3A_780 = tpu.memref_slice %arg6[%dma_wait3A_777, %dma_wait3A_778, %dma_wait3A_779] : memref<2x640x64xf32, #tpu.memory_space<vmem>> -> memref<1x640x64xf32, #tpu.memory_space<vmem>>
      %dma_wait3A_781 = tpu.memref_squeeze %dma_wait3A_780 : memref<1x640x64xf32, #tpu.memory_space<vmem>> -> memref<640x64xf32, #tpu.memory_space<vmem>>
      %dma_wait3A_782 = arith.constant 512 : i32
      %dma_wait3A_783 = arith.constant 0 : i32
      %dma_wait3A_784 = tpu.memref_slice %dma_wait3A_781[%dma_wait3A_782, %dma_wait3A_783] : memref<640x64xf32, #tpu.memory_space<vmem>> -> memref<128x64xf32, #tpu.memory_space<vmem>>
      %dma_wait3A_785 = arith.constant 0 : i32
      %dma_wait3A_786 = tpu.memref_slice %arg5[%add3A_776, %dma_wait3A_785] : memref<200x128xi32, #tpu.memory_space<vmem>> -> memref<1x128xi32, #tpu.memory_space<vmem>>
      %dma_wait3A_787 = tpu.memref_squeeze %dma_wait3A_786 : memref<1x128xi32, #tpu.memory_space<vmem>> -> memref<128xi32, #tpu.memory_space<vmem>>
      %dma_wait3A_788 = arith.constant 0 : i32
      %dma_wait3A_789 = arith.constant 0 : i32
      %dma_wait3A_790 = tpu.memref_slice %arg2[%dma_wait3A_788, %dma_wait3A_789] : memref<100000x64xf32, #tpu.memory_space<hbm>> -> memref<100000x64xf32, #tpu.memory_space<hbm>>
      tpu.wait_indirect_dma semaphore(%arg7 : memref<!tpu.dma_semaphore, #tpu.memory_space<semaphore_mem>>) src(%dma_wait3A_790 : memref<100000x64xf32, #tpu.memory_space<hbm>>) dst(%dma_wait3A_784 : memref<128x64xf32, #tpu.memory_space<vmem>>)
      %mul3A_791 = arith.constant 640 : i32
      %mul3A_792 = arith.muli %add3A_610, %mul3A_791 : i32
      %add3A_793 = arith.addi %mul3A_2, %mul3A_792 : i32
      %dma_start3A_794 = arith.constant 1 : i32
      %dma_start3A_795 = arith.constant 0 : i32
      %dma_start3A_796 = arith.constant 0 : i32
      %dma_start3A_797 = tpu.memref_slice %arg6[%dma_start3A_794, %dma_start3A_795, %dma_start3A_796] : memref<2x640x64xf32, #tpu.memory_space<vmem>> -> memref<1x640x64xf32, #tpu.memory_space<vmem>>
      %dma_start3A_798 = tpu.memref_squeeze %dma_start3A_797 : memref<1x640x64xf32, #tpu.memory_space<vmem>> -> memref<640x64xf32, #tpu.memory_space<vmem>>
      %dma_start3A_799 = arith.constant 0 : i32
      %dma_start3A_800 = tpu.memref_slice %arg4[%add3A_793, %dma_start3A_799] : memref<819200x128xf32, #tpu.memory_space<hbm>> -> memref<640x64xf32, #tpu.memory_space<hbm>>
      %dma_start3A_801 = arith.constant 0 : i32
      %dma_start3A_802 = tpu.memref_slice %arg4[%add3A_793, %dma_start3A_801] : memref<819200x128xf32, #tpu.memory_space<hbm>> -> memref<640x64xf32, #tpu.memory_space<hbm>>
      %dma_start3A_803 = arith.constant 0 : i32
      %dma_start3A_804 = arith.constant 0 : i32
      %dma_start3A_805 = tpu.memref_slice %arg6[%dma_start3A_794, %dma_start3A_803, %dma_start3A_804] : memref<2x640x64xf32, #tpu.memory_space<vmem>> -> memref<1x640x64xf32, #tpu.memory_space<vmem>>
      %dma_start3A_806 = tpu.memref_squeeze %dma_start3A_805 : memref<1x640x64xf32, #tpu.memory_space<vmem>> -> memref<640x64xf32, #tpu.memory_space<vmem>>
      tpu.enqueue_dma source(%dma_start3A_806 : memref<640x64xf32, #tpu.memory_space<vmem>>) target(%dma_start3A_802 : memref<640x64xf32, #tpu.memory_space<hbm>>) target_semaphore(%arg9 : memref<!tpu.dma_semaphore, #tpu.memory_space<semaphore_mem>>)
    }
    %scan3A_336 = arith.constant 19 : i32
    %add3A_337 = arith.constant 24320 : i32
    %add3A_338 = arith.addi %mul3A_2, %add3A_337 : i32
    %dma_wait3A_339 = arith.constant 0 : i32
    %dma_wait3A_340 = arith.constant 0 : i32
    %dma_wait3A_341 = arith.constant 0 : i32
    %dma_wait3A_342 = tpu.memref_slice %arg6[%dma_wait3A_339, %dma_wait3A_340, %dma_wait3A_341] : memref<2x640x64xf32, #tpu.memory_space<vmem>> -> memref<1x640x64xf32, #tpu.memory_space<vmem>>
    %dma_wait3A_343 = tpu.memref_squeeze %dma_wait3A_342 : memref<1x640x64xf32, #tpu.memory_space<vmem>> -> memref<640x64xf32, #tpu.memory_space<vmem>>
    %dma_wait3A_344 = arith.constant 0 : i32
    %dma_wait3A_345 = tpu.memref_slice %arg4[%add3A_338, %dma_wait3A_344] : memref<819200x128xf32, #tpu.memory_space<hbm>> -> memref<640x64xf32, #tpu.memory_space<hbm>>
    %dma_wait3A_346 = arith.constant 0 : i32
    %dma_wait3A_347 = tpu.memref_slice %arg4[%add3A_338, %dma_wait3A_346] : memref<819200x128xf32, #tpu.memory_space<hbm>> -> memref<640x64xf32, #tpu.memory_space<hbm>>
    %dma_wait3A_348 = arith.constant 0 : i32
    %dma_wait3A_349 = arith.constant 0 : i32
    %dma_wait3A_350 = tpu.memref_slice %arg6[%dma_wait3A_339, %dma_wait3A_348, %dma_wait3A_349] : memref<2x640x64xf32, #tpu.memory_space<vmem>> -> memref<1x640x64xf32, #tpu.memory_space<vmem>>
    %dma_wait3A_351 = tpu.memref_squeeze %dma_wait3A_350 : memref<1x640x64xf32, #tpu.memory_space<vmem>> -> memref<640x64xf32, #tpu.memory_space<vmem>>
    tpu.wait_dma2 semaphore(%arg8 : memref<!tpu.dma_semaphore, #tpu.memory_space<semaphore_mem>>) src(%dma_wait3A_351 : memref<640x64xf32, #tpu.memory_space<vmem>>) dst(%dma_wait3A_347 : memref<640x64xf32, #tpu.memory_space<hbm>>)
    %add3A_352 = arith.constant 24960 : i32
    %add3A_353 = arith.addi %mul3A_2, %add3A_352 : i32
    %dma_wait3A_354 = arith.constant 1 : i32
    %dma_wait3A_355 = arith.constant 0 : i32
    %dma_wait3A_356 = arith.constant 0 : i32
    %dma_wait3A_357 = tpu.memref_slice %arg6[%dma_wait3A_354, %dma_wait3A_355, %dma_wait3A_356] : memref<2x640x64xf32, #tpu.memory_space<vmem>> -> memref<1x640x64xf32, #tpu.memory_space<vmem>>
    %dma_wait3A_358 = tpu.memref_squeeze %dma_wait3A_357 : memref<1x640x64xf32, #tpu.memory_space<vmem>> -> memref<640x64xf32, #tpu.memory_space<vmem>>
    %dma_wait3A_359 = arith.constant 0 : i32
    %dma_wait3A_360 = tpu.memref_slice %arg4[%add3A_353, %dma_wait3A_359] : memref<819200x128xf32, #tpu.memory_space<hbm>> -> memref<640x64xf32, #tpu.memory_space<hbm>>
    %dma_wait3A_361 = arith.constant 0 : i32
    %dma_wait3A_362 = tpu.memref_slice %arg4[%add3A_353, %dma_wait3A_361] : memref<819200x128xf32, #tpu.memory_space<hbm>> -> memref<640x64xf32, #tpu.memory_space<hbm>>
    %dma_wait3A_363 = arith.constant 0 : i32
    %dma_wait3A_364 = arith.constant 0 : i32
    %dma_wait3A_365 = tpu.memref_slice %arg6[%dma_wait3A_354, %dma_wait3A_363, %dma_wait3A_364] : memref<2x640x64xf32, #tpu.memory_space<vmem>> -> memref<1x640x64xf32, #tpu.memory_space<vmem>>
    %dma_wait3A_366 = tpu.memref_squeeze %dma_wait3A_365 : memref<1x640x64xf32, #tpu.memory_space<vmem>> -> memref<640x64xf32, #tpu.memory_space<vmem>>
    tpu.wait_dma2 semaphore(%arg9 : memref<!tpu.dma_semaphore, #tpu.memory_space<semaphore_mem>>) src(%dma_wait3A_366 : memref<640x64xf32, #tpu.memory_space<vmem>>) dst(%dma_wait3A_362 : memref<640x64xf32, #tpu.memory_space<hbm>>)
    return
  }
}

module attributes {stable_mosaic.version = 14 : i64} {
  func.func @_compact_first(%arg0: i32, %arg1: memref<4096x128xf32, #tpu.memory_space<vmem>>, %arg2: memref<4096x64xf32, #tpu.memory_space<vmem>>) attributes {dimension_semantics = [#tpu.dimension_semantics<arbitrary>], iteration_bounds = array<i64: 200>, scalar_prefetch = 0 : i64, scratch_operands = 0 : i64, tpu.core_type = #tpu.core_type<tc>, window_params = [{transform_indices = @transform_0, window_bounds = array<i64: 4096, 128>}, {transform_indices = @transform_1, window_bounds = array<i64: 4096, 64>}]} {
    %get3A = arith.constant 0 : index
    %get3A_0 = arith.constant 0 : index
    %get3A_1 = vector.load %arg1[%get3A, %get3A_0] : memref<4096x128xf32, #tpu.memory_space<vmem>>, vector<4096x64xf32>
    %swap3A = arith.constant 0 : index
    %swap3A_2 = arith.constant 0 : index
    %swap3A_3 = vector.load %arg2[%swap3A, %swap3A_2] : memref<4096x64xf32, #tpu.memory_space<vmem>>, vector<4096x64xf32>
    tpu.vector_store %arg2[%swap3A, %swap3A_2], %get3A_1 {strides = array<i32>} : memref<4096x64xf32, #tpu.memory_space<vmem>>, vector<4096x64xf32>,
    return
  }
  func.func @transform_0(%arg0: i32) -> (i32, i32) {
    %c0_i32 = arith.constant 0 : i32
    %c0_i32_0 = arith.constant 0 : i32
    return %arg0, %c0_i32 : i32, i32
  }
  func.func @transform_1(%arg0: i32) -> (i32, i32) {
    %add3A = arith.constant 0 : i32
    %add3A_0 = arith.addi %arg0, %add3A : i32
    %c0_i32 = arith.constant 0 : i32
    %c0_i32_1 = arith.constant 0 : i32
    return %add3A_0, %c0_i32 : i32, i32
  }
}

</mosaic_0001>

<sc_bundles>
// kernel: kernel.4.cloned.1.call-start
scs
__scs_entry_jumppad:
0x0: {  	(pc) =	sbr.rel $0x88, $3  }
0x1: {  	(tag) =	ssettag $0x0;
	lr =	simm.s32 $0x1  }
0x2: {  	[smem:$0x3F9E] =	sst lr;
	_ =	strace $0xD0000000  }
0x3: {  	_ = 	snop  }
0x4: {  	_ = 	snop  }
0x5: {  	_ = 	snop  }
0x6: {  	_ = 	snop  }
0x7: {  	_ = 	snop  }
__scs_overlays_trampoline_lowered:
0x8: {  	[smem:$0x3FAD] =	sst s0  }
0x9: {  	[smem:$0x3FAE] =	sst s1  }
0xa: {  	[smem:$0x3FAF] =	sst s2  }
0xb: {  	[smem:$0x3FB0] =	sst s3  }
0xc: {  	[smem:$0x3FB1] =	sst s4  }
0xd: {  	[smem:$0x3FB2] =	sst s5  }
0xe: {  	[smem:$0x3FB3] =	sst s6  }
0xf: {  	[smem:$0x3FB4] =	sst s7  }
0x10: {  	[smem:$0x3FB5] =	sst s8  }
0x11: {  	[smem:$0x3FB6] =	sst s9;
	s0 =	simm.s32 @!p0 $0x0  }
0x12: {  	s1 =	sld [smem:$0x3F9C];
	s0 =	simm.s32 @p0 $0x1  }
0x13: {  	[smem:$0x3FB7] =	sst s0;
	s0 =	simm.s32 @!p1 $0x0  }
0x14: {  	s2 =	sld [smem:$0x3F9B];
	s0 =	simm.s32 @p1 $0x1  }
0x15: {  	[smem:$0x3FB8] =	sst s0;
	s0 =	simm.s32 @!p2 $0x0  }
0x16: {  	s3 =	sld [smem:$0x3FDB];
	s0 =	simm.s32 @p2 $0x1  }
0x17: {  	s4 =	simm.s32 $0x1BF5;
	[smem:$0x3FBA] =	sst s0  }
0x18: {  	s0 =	sld [smem:$0x3F9D];
	_ =	swait.ge [sflag:s4], $0x0  }
0x19: {  	s7 =	sld [smem:$0x3F9E]  }
0x1a: {  	s8 =	sadd.s32 $0xFFFFE003, lr  }
0x1b: {  	s9 =	sadd.s32 $0xFFFFFEF7, lr;
	s5 =	simm.s32 $0xFFFFFFFF;
	p2 =	slt.u32 s8, $0xFFFFF086  }
0x1c: {  	p1 =	slt.u32 s9, $0xF7A;
	s5 =	simm.s32 @!p2 $0x0  }
0x1d: {  	s5 =	simm.s32 @p1 $0x1;
	p0 =	seq.s32 s7, s2  }
0x1e: {  	s7 =	smul.u32 @!p0 $0xF7A, s2;
	p2 =	seq.s32 @!p0 s5, $0x0  }
0x1f: {  	s9 =	smul.u32 $0xF7A, s1;
	s8 =	simm.s32 @!p0 $0x1BF5;
	p2 =	por !p2, p0  }
0x20: {  	[sflag:s8] =	ssyncset.s32 @!p0 $0xFFFFF086;
	s6 =	sadd.s32 @!p0 s3, s7;
	s7 =	simm.s32 @!p0 $0x108  }
0x21: {  	s3 =	sadd.s32 s3, s9;
	s6 =	sadd.s32 @!p0 $0x88, s6;
	s7 =	simm.s32 @p2 $0x1082  }
0x22: {  	[simem:s7], [sflag:s8] =	dma.local @!p0 [hbm:s6], $0xF7A  }
0x23: {  	s9 =	sor.u32 $0xD0000000, s2;
	s6 =	simm.s32 $0x108;
	_ =	swait.ge @!p0 [sflag:s8], $0x0  }
0x24: {  	s3 =	sadd.s32 $0x88, s3;
	s6 =	simm.s32 @!p1 $0x1082;
	[sflag:s4] =	ssyncset.s32 $0xFFFFF086  }
0x25: {  	[simem:s6], [sflag:s4] =	dma.local [hbm:s3], $0xF7A  }
0x26: {  	[smem:$0x3F9E] =	sst s1;
	(tag) =	ssettag s2;
	_ =	strace s9  }
0x27: {  	s1 =	sld [smem:$0x3FAE]  }
0x28: {  	s2 =	sld [smem:$0x3FAF]  }
0x29: {  	s4 =	sld [smem:$0x3FB1]  }
0x2a: {  	p0 =	seq.s32 s5, $0x0;
	s5 =	sld [smem:$0x3FB2]  }
0x2b: {  	s6 =	sld [smem:$0x3FB3]  }
0x2c: {  	s7 =	sld [smem:$0x3FB4]  }
0x2d: {  	s3 =	simm.s32 $0x108;
	s8 =	sld [smem:$0x3FB5]  }
0x2e: {  	s3 =	simm.s32 @!p0 $0x1082;
	s9 =	sld [smem:$0x3FB6]  }
0x2f: {  	lr =	sadd.s32 s0, s3;
	s0 =	sld [smem:$0x3FAD]  }
0x30: {  	s3 =	sld [smem:$0x3FB0]  }
0x31: {  	[smem:$0x3FB9] =	sst s10  }
0x32: {  	s10 =	sld [smem:$0x3FB7];
	_ =	sdelay $0x3  }
0x33: {  	p0 =	seq.s32 s10, $0x1;
	s10 =	sld [smem:$0x3FB9];
	_ =	sdelay $0x3  }
0x34: {  	[smem:$0x3FB9] =	sst s10  }
0x35: {  	s10 =	sld [smem:$0x3FB8];
	_ =	sdelay $0x3  }
0x36: {  	p1 =	seq.s32 s10, $0x1;
	s10 =	sld [smem:$0x3FB9];
	_ =	sdelay $0x3  }
0x37: {  	[smem:$0x3FB9] =	sst s10  }
0x38: {  	s10 =	sld [smem:$0x3FBA]  }
0x39: {  	_ = 	snop;
	(pc) =	sbr.ind lr, $3  }
0x3a: {  	_ = 	snop  }
0x3b: {  	_ = 	snop  }
0x3c: {  	p2 =	seq.s32 s10, $0x1;
	s10 =	sld [smem:$0x3FB9]  }
0x3d: {  	_ =	shalt  }
0x3e: {  	_ =	shalt  }
0x3f: {  	_ =	shalt  }
0x40: {  	_ =	shalt  }
0x41: {  	_ =	shalt  }
0x42: {  	_ =	shalt  }
0x43: {  	_ =	shalt  }
0x44: {  	_ =	shalt  }
0x45: {  	_ =	shalt  }
0x46: {  	_ =	shalt  }
0x47: {  	_ =	shalt  }
0x48: {  	_ =	shalt  }
0x49: {  	_ =	shalt  }
0x4a: {  	_ =	shalt  }
0x4b: {  	_ =	shalt  }
0x4c: {  	_ =	shalt  }
0x4d: {  	_ =	shalt  }
0x4e: {  	_ =	shalt  }
0x4f: {  	_ =	shalt  }
0x50: {  	_ =	shalt  }
0x51: {  	_ =	shalt  }
0x52: {  	_ =	shalt  }
0x53: {  	_ =	shalt  }
0x54: {  	_ =	shalt  }
0x55: {  	_ =	shalt  }
0x56: {  	_ =	shalt  }
0x57: {  	_ =	shalt  }
0x58: {  	_ =	shalt  }
0x59: {  	_ =	shalt  }
0x5a: {  	_ =	shalt  }
0x5b: {  	_ =	shalt  }
0x5c: {  	_ =	shalt  }
0x5d: {  	_ =	shalt  }
0x5e: {  	_ =	shalt  }
0x5f: {  	_ =	shalt  }
0x60: {  	_ =	shalt  }
0x61: {  	_ =	shalt  }
0x62: {  	_ =	shalt  }
0x63: {  	_ =	shalt  }
0x64: {  	_ =	shalt  }
0x65: {  	_ =	shalt  }
0x66: {  	_ =	shalt  }
0x67: {  	_ =	shalt  }
0x68: {  	_ =	shalt  }
0x69: {  	_ =	shalt  }
0x6a: {  	_ =	shalt  }
0x6b: {  	_ =	shalt  }
0x6c: {  	_ =	shalt  }
0x6d: {  	_ =	shalt  }
0x6e: {  	_ =	shalt  }
0x6f: {  	_ =	shalt  }
0x70: {  	_ =	shalt  }
0x71: {  	_ =	shalt  }
0x72: {  	_ =	shalt  }
0x73: {  	_ =	shalt  }
0x74: {  	_ =	shalt  }
0x75: {  	_ =	shalt  }
0x76: {  	_ =	shalt  }
0x77: {  	_ =	shalt  }
0x78: {  	_ =	shalt  }
0x79: {  	_ =	shalt  }
0x7a: {  	_ =	shalt  }
0x7b: {  	_ =	shalt  }
0x7c: {  	_ =	shalt  }
0x7d: {  	_ =	shalt  }
0x7e: {  	_ =	shalt  }
0x7f: {  	_ =	shalt  }
0x80: {  	_ =	shalt  }
0x81: {  	_ =	shalt  }
0x82: {  	_ =	shalt  }
0x83: {  	_ =	shalt  }
0x84: {  	_ =	shalt  }
0x85: {  	_ =	shalt  }
0x86: {  	_ =	shalt  }
0x87: {  	_ =	shalt  }
.Lfunc_end0:
.L_simem_size_0:
called_computation.1_lowered:
.L_overlay_start_0:
0x88: {  	s2 =	sld [smem:$0x3FD9]  }
0x89: {  	s3 =	sld [smem:$0x3FFE];
	_ =	sdelay $0x1  }
0x8a: {  	s1 =	srdreg.scid  }
0x8b: {  	s0 =	sand.u32 $0x1, s1  }
0x8c: {  	s14 =	sshll.u32 s0, $0xA;
	s2 =	sadd.s32 s3, s2  }
0x8d: {  	s2 =	sadd.s32 s2, s14  }
0x8e: {  	[smem:$0x3FC5] =	sst s2  }
0x8f: {  	_ = 	snop  }
0x90: {  	s2 =	sld [smem:$0x3FD0];
	_ =	sdelay $0x2  }
0x91: {  	s15 =	simm.s32 $0xA;
	s4 =	simm.s32 $0x10  }
0x92: {  	[smem:s4], [sflag:s15] =	dma.local [hbm:s2], $0x1  }
0x93: {  	_ =	swait.eq [sflag:s15], $0x1  }
0x94: {  	[sflag:s15] =	ssyncset.done $0x0  }
0x95: {  	[sflag:s15] =	ssyncadd.s32 $0xFFFFFFFF  }
0x96: {  	s16 =	sld [smem:$0x10];
	(tm) =	ssettm $0x1  }
0x97: {  	s17 =	sld [smem:$0x3FFB];
	_ =	sdelay $0x3  }
0x98: {  	_ =	strace s17  }
0x99: {  	s3 =	sld [smem:$0x3FFC];
	_ =	sdelay $0x3  }
0x9a: {  	_ =	strace s3  }
0x9b: {  	s3 =	sld [smem:$0x3FFD];
	_ =	sdelay $0x3  }
0x9c: {  	_ =	strace s3  }
0x9d: {  	_ =	strace $0x8FFFFFFF  }
0x9e: {  	s18 =	sld [smem:$0x3FDB];
	_ =	sdelay $0x1  }
0x9f: {  	s19 =	simm.s32 $_scs_section_size  }
0xa0: {  	s5 =	simm.s32 $_size__tile_overlayer_lowered;
	s6 =	simm.s32 $_tile_overlayer_lowered  }
0xa1: {  	s22 =	simm.s32 $0x1BFF;
	s21 =	sshll.u32 s6, $0x1;
	s3 =	sadd.s32 s19, s18  }
0xa2: {  	s7 =	simm.s32 $0x0;
	s20 =	sshll.u32 s5, $0x1;
	s5 =	sadd.s32 s21, s3  }
0xa3: {  	[timem:s7], [sflag:s22] =	dma.local [hbm:s5], s20  }
0xa4: {  	_ =	swait.ge [sflag:s22], s20  }
0xa5: {  	s4 =	ssub.s32 $0x0, s20;
	[sflag:s22] =	ssyncset.done $0x0  }
0xa6: {  	[sflag:s22] =	ssyncadd.s32 s4;
	_ =	sdelay $0x1  }
0xa7: {  	s23 =	simm.s32 $0x1B8B  }
0xa8: {  	_ =	swait.ge [sflag:s23], $0x1  }
0xa9: {  	[sflag:s23] =	ssyncset.done $0x0  }
0xaa: {  	s25 =	simm.s32 $0x1B8E;
	s24 =	sld [smem:$0x3FFE];
	[sflag:s23] =	ssyncadd.s32 $0xFFFFFFFF  }
0xab: {  	s26 =	simm.s32 $execute0_lowered;
	[smem:$0x3FD2] =	sst s25  }
0xac: {  	s5 =	sshll.u32 s26, $0x1;
	_ =	strace $0x80000046;
	[dreg:$0x1] =	wrdreg $0xFFFFFFFF  }
0xad: {  	s28 =	simm.s32 $_size_execute0_lowered;
	s3 =	sadd.s32 s3, s5;
	[dreg:$0x0] =	wrdreg $0x0  }
0xae: {  	s5 =	sshll.u32 s28, $0x1;
	[dreg:$0x2] =	wrdreg s3  }
0xaf: {  	[dreg:$0x3] =	wrdreg s5  }
0xb0: {  	[dreg:$0x4] =	wrdreg $0xC0  }
0xb1: {  	_ =	task [dreg:s7], $0x5FFFF  }
0xb2: {  	[dreg:$0x1] =	wrdreg $0xFFFFFFFF  }
0xb3: {  	[dreg:$0x0] =	wrdreg $0x60  }
0xb4: {  	[dreg:$0x2] =	wrdreg s24  }
0xb5: {  	[dreg:$0x3] =	wrdreg s16  }
0xb6: {  	[dreg:$0x4] =	wrdreg $0x9  }
0xb7: {  	_ =	task.clear_ibuf [dreg:s7], $0x5FFFF;
	_ =	strace $0x90000046  }
0xb8: {  	s29 =	simm.s32 $0x9;
	_ =	strace $0x80000048  }
0xb9: {  	_ =	swait.ge [sflag:s29], $0x1  }
0xba: {  	[sflag:s29] =	ssyncadd.s32 $0xFFFFFFFF  }
0xbb: {  	_ =	strace $0x90000048  }
0xbc: {  	_ =	sfence  }
0xbd: {  	s30 =	sld [smem:$0x0];
	_ =	sdelay $0x2  }
0xbe: {  	s31 =	sshll.u32 s1, $0xD;
	s1 =	sshrl.u32 s1, $0x2  }
0xbf: {  	s3 =	sand.u32 $0x4000, s31;
	s1 =	sadd.s32 s1, s30  }
0xc0: {  	s0 =	sor.u32 s3, s0;
	s1 =	sshll.u32 s1, $0x11  }
0xc1: {  	s0 =	sor.u32 s1, s0  }
0xc2: {  	s0 =	sadd.s32 $0x8F2B, s0  }
0xc3: {  	[sflag:s0] =	ssyncadd.remote.s32 $0x1  }
0xc4: {  	_ =	sfence.sel $0xFFFF  }
0xc5: {  	[dreg:$0x0] =	wrdreg $0xFFFFFFFF;
	(pc) =	sbr.abs _section_cstart, $3  }
0xc6: {  	[dreg:$0x1] =	wrdreg $0xFFFFFFFF  }
0xc7: {  	_ =	task.clear_ibuf [dreg:s7], $0x2FFFF;
	_ =	strace $0x9FFFFFFF  }
0xc8: {  	(tm) =	ssettm $0x7FFFFFFF  }
0xc9: {  	_ =	shalt  }
tec
execute0_lowered:
.L_overlay_start_1:
0x0: {  	(tag) =	ssettag $0x1  }
0x1: {  	s0 =	srdreg.scid  }
0x2: {  	s3 =	stileid.u32;
	s1 =	rddreg [dreg:$0x0]  }
0x3: {  	s4 =	rddreg [dreg:$0x1];
	s10 =	simm.s32 $0x4;
	s11 =	simm.s32 $0x80  }
0x4: {  	s12 =	simm.s32 $0x6400;
	s13 =	simm.s32 $0x8400;
	s15 =	simm.s32 $0xA400  }
0x5: {  	s17 =	simm.s32 $0xC400;
	s19 =	simm.s32 $0xE400;
	s20 =	simm.s32 $0x1  }
0x6: {  	s21 =	simm.s32 $0x40;
	s23 =	simm.s32 $0x10400;
	s25 =	simm.s32 $0x12400  }
0x7: {  	s28 =	simm.s32 $0x14400;
	s30 =	simm.s32 $0x16400;
	s14 =	simm.s32 $0x3  }
0x8: {  	s16 =	simm.s32 $0x0;
	s0 =	sand.u32 $0x1, s0;
	s2 =	sshll.u32 s3, $0x1  }
0x9: {  	s7 =	smul.u32 $0xC800, s3;
	s3 =	sadd.s32 $0xC00, s1;
	s5 =	sor.u32 s0, s2  }
0xa: {  	s2 =	simm.s32 $0x0;
	s8 =	ssub.s32 $0x2, s0;
	s0 =	smul.u32 $0x6400, s0  }
0xb: {  	s1 =	sadd.s32 $0xC4200, s1;
	s6 =	smul.u32 $0xC80, s5;
	[smem:$0x7FF] =	sst s2  }
0xc: {  	s9 =	sshrl.u32 s8, $0x1;
	s5 =	smul.u32 $0x64000, s5;
	_ =	strace $0x80000047  }
0xd: {  	s8 =	ssub.s32 s8, s9;
	s0 =	sadd.s32 s0, s7;
	s4 =	sadd.s32 s4, s6  }
0xe: {  	s5 =	sadd.s32 s1, s5;
	s0 =	sshll.u32 s0, $0x4;
	s7 =	smax.u32 s8, $0x1  }
0xf: {  	s6 =	sadd.s32 $0x2800, s5;
	s0 =	sadd.s32 s1, s0;
	s1 =	simm.s32 $0x18400  }
0x10: {  	s8 =	sadd.s32 $0x5000, s0;
	s26 =	sadd.s32 $0x7800, s0;
	s0 =	simm.s32 $0x2  }
.LBB2_1:
0x11: {  	[tilespmem:s2], [sflag:$0x4] =	stream.linear.gather [hbm4b:s4+s2], $0x6400, $0x38;
	[tilespmem:$0x1A400] =	vst v63  }
0x12: {  	_ =	swait.ge [sflag:s10], $0x6400  }
0x13: {  	[sflag:s10] =	ssyncset.done $0x0  }
0x14: {  	[sflag:s10] =	ssyncadd.s32 $0xFFFF9C00  }
0x15: {  	[tilespmem:s12], [sflag:$0x1] =	stream.indirect.gather [hbm4b:s3+s11], $0x40, s2, s11, $0xb8;
	[tilespmem:$0x1A400] =	vst v63  }
0x16: {  	_ = 	snop  }
0x17: {  	[tilespmem:s13], [sflag:$0x1] =	stream.indirect.gather [hbm4b:s3+s11], $0x40, s11, s11, $0xb8;
	[tilespmem:$0x1A400] =	vst v63  }
0x18: {  	s9 =	simm.s32 $0x100  }
0x19: {  	[tilespmem:s15], [sflag:$0x1] =	stream.indirect.gather [hbm4b:s3+s11], $0x40, s9, s11, $0xb8;
	[tilespmem:$0x1A400] =	vst v63  }
0x1a: {  	s29 =	simm.s32 $0x180  }
0x1b: {  	[tilespmem:s17], [sflag:$0x1] =	stream.indirect.gather [hbm4b:s3+s11], $0x40, s29, s11, $0xb8;
	[tilespmem:$0x1A400] =	vst v63  }
0x1c: {  	s31 =	simm.s32 $0x200  }
0x1d: {  	[tilespmem:s19], [sflag:$0x1] =	stream.indirect.gather [hbm4b:s3+s11], $0x40, s31, s11, $0xb8;
	[tilespmem:$0x1A400] =	vst v63  }
0x1e: {  	_ =	swait.ge [sflag:s20], $0x2000  }
0x1f: {  	[sflag:s20] =	ssyncset.done $0x0  }
0x20: {  	[sflag:s20] =	ssyncadd.s32 $0xFFFFE000  }
0x21: {  	_ =	swait.ge [sflag:s20], $0x2000  }
0x22: {  	[sflag:s20] =	ssyncset.done $0x0  }
0x23: {  	[sflag:s20] =	ssyncadd.s32 $0xFFFFE000  }
0x24: {  	_ =	swait.ge [sflag:s20], $0x2000  }
0x25: {  	[sflag:s20] =	ssyncset.done $0x0  }
0x26: {  	[sflag:s20] =	ssyncadd.s32 $0xFFFFE000  }
0x27: {  	_ =	swait.ge [sflag:s20], $0x2000  }
0x28: {  	[sflag:s20] =	ssyncset.done $0x0  }
0x29: {  	[sflag:s20] =	ssyncadd.s32 $0xFFFFE000  }
0x2a: {  	_ =	swait.ge [sflag:s20], $0x2000  }
0x2b: {  	[sflag:s20] =	ssyncset.done $0x0  }
0x2c: {  	[sflag:s20] =	ssyncadd.s32 $0xFFFFE000  }
0x2d: {  	[hbm4b:s5+s21] =	stream.strided.scatter [tilespmem:s12], [sflag:$0x2], $0xA000, s11, s21, $0x38;
	[tilespmem:$0x1A400] =	vst v63  }
0x2e: {  	s18 =	simm.s32 $0x280  }
0x2f: {  	[tilespmem:s23], [sflag:$0x1] =	stream.indirect.gather [hbm4b:s3+s11], $0x40, s18, s11, $0xb8;
	[tilespmem:$0x1A400] =	vst v63  }
0x30: {  	s22 =	simm.s32 $0x300  }
0x31: {  	[tilespmem:s25], [sflag:$0x1] =	stream.indirect.gather [hbm4b:s3+s11], $0x40, s22, s11, $0xb8;
	[tilespmem:$0x1A400] =	vst v63  }
0x32: {  	s24 =	simm.s32 $0x380  }
0x33: {  	[tilespmem:s28], [sflag:$0x1] =	stream.indirect.gather [hbm4b:s3+s11], $0x40, s24, s11, $0xb8;
	[tilespmem:$0x1A400] =	vst v63  }
0x34: {  	s29 =	simm.s32 $0x400  }
0x35: {  	[tilespmem:s30], [sflag:$0x1] =	stream.indirect.gather [hbm4b:s3+s11], $0x40, s29, s11, $0xb8;
	[tilespmem:$0x1A400] =	vst v63  }
0x36: {  	s31 =	simm.s32 $0x480  }
0x37: {  	[tilespmem:s1], [sflag:$0x1] =	stream.indirect.gather [hbm4b:s3+s11], $0x40, s31, s11, $0xb8;
	[tilespmem:$0x1A400] =	vst v63  }
0x38: {  	_ =	swait.ge [sflag:s20], $0x2000  }
0x39: {  	[sflag:s20] =	ssyncset.done $0x0  }
0x3a: {  	[sflag:s20] =	ssyncadd.s32 $0xFFFFE000  }
0x3b: {  	_ =	swait.ge [sflag:s20], $0x2000  }
0x3c: {  	[sflag:s20] =	ssyncset.done $0x0  }
0x3d: {  	[sflag:s20] =	ssyncadd.s32 $0xFFFFE000  }
0x3e: {  	_ =	swait.ge [sflag:s20], $0x2000  }
0x3f: {  	[sflag:s20] =	ssyncset.done $0x0  }
0x40: {  	[sflag:s20] =	ssyncadd.s32 $0xFFFFE000  }
0x41: {  	_ =	swait.ge [sflag:s20], $0x2000  }
0x42: {  	[sflag:s20] =	ssyncset.done $0x0  }
0x43: {  	[sflag:s20] =	ssyncadd.s32 $0xFFFFE000  }
0x44: {  	_ =	swait.ge [sflag:s20], $0x2000  }
0x45: {  	[sflag:s20] =	ssyncset.done $0x0  }
0x46: {  	[sflag:s20] =	ssyncadd.s32 $0xFFFFE000  }
0x47: {  	[hbm4b:s6+s21] =	stream.strided.scatter [tilespmem:s23], [sflag:$0x3], $0xA000, s11, s21, $0x38;
	[tilespmem:$0x1A400] =	vst v63  }
0x48: {  	_ =	swait.ge [sflag:s0], $0xA000  }
0x49: {  	[sflag:s0] =	ssyncset.done $0x0  }
0x4a: {  	s18 =	simm.s32 $0x500;
	[sflag:s0] =	ssyncadd.s32 $0xFFFF6000  }
0x4b: {  	[tilespmem:s12], [sflag:$0x1] =	stream.indirect.gather [hbm4b:s3+s11], $0x40, s18, s11, $0xb8;
	[tilespmem:$0x1A400] =	vst v63  }
0x4c: {  	s22 =	simm.s32 $0x580  }
0x4d: {  	[tilespmem:s13], [sflag:$0x1] =	stream.indirect.gather [hbm4b:s3+s11], $0x40, s22, s11, $0xb8;
	[tilespmem:$0x1A400] =	vst v63  }
0x4e: {  	s24 =	simm.s32 $0x600  }
0x4f: {  	[tilespmem:s15], [sflag:$0x1] =	stream.indirect.gather [hbm4b:s3+s11], $0x40, s24, s11, $0xb8;
	[tilespmem:$0x1A400] =	vst v63  }
0x50: {  	s29 =	simm.s32 $0x680  }
0x51: {  	[tilespmem:s17], [sflag:$0x1] =	stream.indirect.gather [hbm4b:s3+s11], $0x40, s29, s11, $0xb8;
	[tilespmem:$0x1A400] =	vst v63  }
0x52: {  	s31 =	simm.s32 $0x700  }
0x53: {  	[tilespmem:s19], [sflag:$0x1] =	stream.indirect.gather [hbm4b:s3+s11], $0x40, s31, s11, $0xb8;
	[tilespmem:$0x1A400] =	vst v63  }
0x54: {  	_ =	swait.ge [sflag:s20], $0x2000  }
0x55: {  	[sflag:s20] =	ssyncset.done $0x0  }
0x56: {  	[sflag:s20] =	ssyncadd.s32 $0xFFFFE000  }
0x57: {  	_ =	swait.ge [sflag:s20], $0x2000  }
0x58: {  	[sflag:s20] =	ssyncset.done $0x0  }
0x59: {  	[sflag:s20] =	ssyncadd.s32 $0xFFFFE000  }
0x5a: {  	_ =	swait.ge [sflag:s20], $0x2000  }
0x5b: {  	[sflag:s20] =	ssyncset.done $0x0  }
0x5c: {  	[sflag:s20] =	ssyncadd.s32 $0xFFFFE000  }
0x5d: {  	_ =	swait.ge [sflag:s20], $0x2000  }
0x5e: {  	[sflag:s20] =	ssyncset.done $0x0  }
0x5f: {  	[sflag:s20] =	ssyncadd.s32 $0xFFFFE000  }
0x60: {  	_ =	swait.ge [sflag:s20], $0x2000  }
0x61: {  	[sflag:s20] =	ssyncset.done $0x0  }
0x62: {  	[sflag:s20] =	ssyncadd.s32 $0xFFFFE000  }
0x63: {  	[hbm4b:s8+s21] =	stream.strided.scatter [tilespmem:s12], [sflag:$0x2], $0xA000, s11, s21, $0x38;
	[tilespmem:$0x1A400] =	vst v63  }
0x64: {  	_ =	swait.ge [sflag:s14], $0xA000  }
0x65: {  	[sflag:s14] =	ssyncset.done $0x0  }
0x66: {  	s18 =	simm.s32 $0x780;
	[sflag:s14] =	ssyncadd.s32 $0xFFFF6000  }
0x67: {  	[tilespmem:s23], [sflag:$0x1] =	stream.indirect.gather [hbm4b:s3+s11], $0x40, s18, s11, $0xb8;
	[tilespmem:$0x1A400] =	vst v63  }
0x68: {  	s22 =	simm.s32 $0x800  }
0x69: {  	[tilespmem:s25], [sflag:$0x1] =	stream.indirect.gather [hbm4b:s3+s11], $0x40, s22, s11, $0xb8;
	[tilespmem:$0x1A400] =	vst v63  }
0x6a: {  	s24 =	simm.s32 $0x880  }
0x6b: {  	[tilespmem:s28], [sflag:$0x1] =	stream.indirect.gather [hbm4b:s3+s11], $0x40, s24, s11, $0xb8;
	[tilespmem:$0x1A400] =	vst v63  }
0x6c: {  	s29 =	simm.s32 $0x900  }
0x6d: {  	[tilespmem:s30], [sflag:$0x1] =	stream.indirect.gather [hbm4b:s3+s11], $0x40, s29, s11, $0xb8;
	[tilespmem:$0x1A400] =	vst v63  }
0x6e: {  	s31 =	simm.s32 $0x980  }
0x6f: {  	[tilespmem:s1], [sflag:$0x1] =	stream.indirect.gather [hbm4b:s3+s11], $0x40, s31, s11, $0xb8;
	[tilespmem:$0x1A400] =	vst v63  }
0x70: {  	_ =	swait.ge [sflag:s20], $0x2000  }
0x71: {  	[sflag:s20] =	ssyncset.done $0x0  }
0x72: {  	[sflag:s20] =	ssyncadd.s32 $0xFFFFE000  }
0x73: {  	_ =	swait.ge [sflag:s20], $0x2000  }
0x74: {  	[sflag:s20] =	ssyncset.done $0x0  }
0x75: {  	[sflag:s20] =	ssyncadd.s32 $0xFFFFE000  }
0x76: {  	_ =	swait.ge [sflag:s20], $0x2000  }
0x77: {  	[sflag:s20] =	ssyncset.done $0x0  }
0x78: {  	[sflag:s20] =	ssyncadd.s32 $0xFFFFE000  }
0x79: {  	_ =	swait.ge [sflag:s20], $0x2000  }
0x7a: {  	[sflag:s20] =	ssyncset.done $0x0  }
0x7b: {  	[sflag:s20] =	ssyncadd.s32 $0xFFFFE000  }
0x7c: {  	_ =	swait.ge [sflag:s20], $0x2000  }
0x7d: {  	s9 =	smov.u32 s26;
	s18 =	simm.s32 $0x1400;
	[sflag:s20] =	ssyncset.done $0x0  }
0x7e: {  	s22 =	sadd.s32 $0x5000, s8;
	s24 =	sadd.s32 $0x5000, s26;
	[sflag:s20] =	ssyncadd.s32 $0xFFFFE000  }
.LBB2_2:
0x7f: {  	[hbm4b:s9+s21] =	stream.strided.scatter [tilespmem:s23], [sflag:$0x3], $0xA000, s11, s21, $0x38;
	[tilespmem:$0x1A400] =	vst v63  }
0x80: {  	s29 =	smov.u32 s18;
	s9 =	smov.u32 s24  }
0x81: {  	p0 =	sne.s32 s18, $0x16800;
	s18 =	sadd.s32 $0x1400, s18;
	_ =	swait.ge [sflag:s0], $0xA000  }
0x82: {  	s29 =	sshra.s32 s29, $0x2;
	[sflag:s0] =	ssyncset.done $0x0  }
0x83: {  	s31 =	sadd.s32 $0x500, s29;
	[sflag:s0] =	ssyncadd.s32 $0xFFFF6000  }
0x84: {  	[tilespmem:s12], [sflag:$0x1] =	stream.indirect.gather [hbm4b:s3+s11], $0x40, s31, s11, $0xb8;
	[tilespmem:$0x1A400] =	vst v63  }
0x85: {  	s31 =	sadd.s32 $0x580, s29  }
0x86: {  	[tilespmem:s13], [sflag:$0x1] =	stream.indirect.gather [hbm4b:s3+s11], $0x40, s31, s11, $0xb8;
	[tilespmem:$0x1A400] =	vst v63  }
0x87: {  	s31 =	sadd.s32 $0x600, s29  }
0x88: {  	[tilespmem:s15], [sflag:$0x1] =	stream.indirect.gather [hbm4b:s3+s11], $0x40, s31, s11, $0xb8;
	[tilespmem:$0x1A400] =	vst v63  }
0x89: {  	s31 =	sadd.s32 $0x680, s29  }
0x8a: {  	[tilespmem:s17], [sflag:$0x1] =	stream.indirect.gather [hbm4b:s3+s11], $0x40, s31, s11, $0xb8;
	[tilespmem:$0x1A400] =	vst v63  }
0x8b: {  	s31 =	sadd.s32 $0x700, s29  }
0x8c: {  	[tilespmem:s19], [sflag:$0x1] =	stream.indirect.gather [hbm4b:s3+s11], $0x40, s31, s11, $0xb8;
	[tilespmem:$0x1A400] =	vst v63  }
0x8d: {  	_ =	swait.ge [sflag:s20], $0x2000  }
0x8e: {  	[sflag:s20] =	ssyncset.done $0x0  }
0x8f: {  	[sflag:s20] =	ssyncadd.s32 $0xFFFFE000  }
0x90: {  	_ =	swait.ge [sflag:s20], $0x2000  }
0x91: {  	[sflag:s20] =	ssyncset.done $0x0  }
0x92: {  	[sflag:s20] =	ssyncadd.s32 $0xFFFFE000  }
0x93: {  	_ =	swait.ge [sflag:s20], $0x2000  }
0x94: {  	[sflag:s20] =	ssyncset.done $0x0  }
0x95: {  	[sflag:s20] =	ssyncadd.s32 $0xFFFFE000  }
0x96: {  	_ =	swait.ge [sflag:s20], $0x2000  }
0x97: {  	[sflag:s20] =	ssyncset.done $0x0  }
0x98: {  	[sflag:s20] =	ssyncadd.s32 $0xFFFFE000  }
0x99: {  	_ =	swait.ge [sflag:s20], $0x2000  }
0x9a: {  	[sflag:s20] =	ssyncset.done $0x0  }
0x9b: {  	[sflag:s20] =	ssyncadd.s32 $0xFFFFE000  }
0x9c: {  	[hbm4b:s22+s21] =	stream.strided.scatter [tilespmem:s12], [sflag:$0x2], $0xA000, s11, s21, $0x38;
	[tilespmem:$0x1A400] =	vst v63  }
0x9d: {  	_ =	swait.ge [sflag:s14], $0xA000  }
0x9e: {  	[sflag:s14] =	ssyncset.done $0x0  }
0x9f: {  	s31 =	sadd.s32 $0x780, s29;
	[sflag:s14] =	ssyncadd.s32 $0xFFFF6000  }
0xa0: {  	[tilespmem:s23], [sflag:$0x1] =	stream.indirect.gather [hbm4b:s3+s11], $0x40, s31, s11, $0xb8;
	[tilespmem:$0x1A400] =	vst v63  }
0xa1: {  	s31 =	sadd.s32 $0x800, s29  }
0xa2: {  	[tilespmem:s25], [sflag:$0x1] =	stream.indirect.gather [hbm4b:s3+s11], $0x40, s31, s11, $0xb8;
	[tilespmem:$0x1A400] =	vst v63  }
0xa3: {  	s31 =	sadd.s32 $0x880, s29  }
0xa4: {  	[tilespmem:s28], [sflag:$0x1] =	stream.indirect.gather [hbm4b:s3+s11], $0x40, s31, s11, $0xb8;
	[tilespmem:$0x1A400] =	vst v63  }
0xa5: {  	s31 =	sadd.s32 $0x900, s29  }
0xa6: {  	[tilespmem:s30], [sflag:$0x1] =	stream.indirect.gather [hbm4b:s3+s11], $0x40, s31, s11, $0xb8;
	[tilespmem:$0x1A400] =	vst v63  }
0xa7: {  	s29 =	sadd.s32 $0x980, s29  }
0xa8: {  	[tilespmem:s1], [sflag:$0x1] =	stream.indirect.gather [hbm4b:s3+s11], $0x40, s29, s11, $0xb8;
	[tilespmem:$0x1A400] =	vst v63  }
0xa9: {  	_ =	swait.ge [sflag:s20], $0x2000  }
0xaa: {  	[sflag:s20] =	ssyncset.done $0x0  }
0xab: {  	[sflag:s20] =	ssyncadd.s32 $0xFFFFE000  }
0xac: {  	_ =	swait.ge [sflag:s20], $0x2000  }
0xad: {  	[sflag:s20] =	ssyncset.done $0x0  }
0xae: {  	[sflag:s20] =	ssyncadd.s32 $0xFFFFE000  }
0xaf: {  	_ =	swait.ge [sflag:s20], $0x2000  }
0xb0: {  	[sflag:s20] =	ssyncset.done $0x0  }
0xb1: {  	[sflag:s20] =	ssyncadd.s32 $0xFFFFE000  }
0xb2: {  	_ =	swait.ge [sflag:s20], $0x2000  }
.Ltmp0:
0xb3: {  	[sflag:s20] =	ssyncset.done $0x0;
	(pc) =	sbr.rel @p0 .LBB2_2-.Ltmp0, $4  }
0xb4: {  	[sflag:s20] =	ssyncadd.s32 $0xFFFFE000  }
0xb5: {  	_ =	swait.ge [sflag:s20], $0x2000  }
0xb6: {  	[sflag:s20] =	ssyncset.done $0x0  }
0xb7: {  	s24 =	sadd.s32 $0x5000, s24;
	s22 =	sadd.s32 $0x5000, s22;
	[sflag:s20] =	ssyncadd.s32 $0xFFFFE000  }
0xb8: {  	[hbm4b:s9+s21] =	stream.strided.scatter [tilespmem:s23], [sflag:$0x3], $0xA000, s11, s21, $0x38;
	[tilespmem:$0x1A400] =	vst v63  }
0xb9: {  	s16 =	sadd.s32 $0x1, s16  }
0xba: {  	_ =	swait.ge [sflag:s0], $0xA000;
	p0 =	sne.s32 s16, s7  }
.Ltmp1:
0xbb: {  	[sflag:s0] =	ssyncset.done $0x0;
	(pc) =	sbr.rel @p0 .LBB2_1-.Ltmp1, $4  }
0xbc: {  	[sflag:s0] =	ssyncadd.s32 $0xFFFF6000  }
0xbd: {  	_ =	swait.ge [sflag:s14], $0xA000  }
0xbe: {  	[sflag:s14] =	ssyncset.done $0x0  }
0xbf: {  	[sflag:s14] =	ssyncadd.s32 $0xFFFF6000  }
0xc0: {  	_ =	sfence.sel $0x180000  }
0xc1: {  	[bflag:$0x0] =	sbarrier.arrive $0xFFFF  }
0xc2: {  	_ =	strace $0x90000047  }
0xc3: {  	s0 =	stileid.u32;
	[bflag:$0x2] =	sbarrier.arrive $0xFFFF  }
0xc4: {  	p0 =	sne.s32 s0, $0x0;
	s0 =	rddreg [dreg:$0x2]  }
0xc5: {  	s0 =	sadd.s32 @!p0 $0x100000, s0  }
0xc6: {  	[sflag:s0] =	ssyncadd.tile.s32 @!p0 $0x1;
	_ =	shalt  }
.Lfunc_end2:
_tile_overlayer_lowered:
.L_overlay_start_2:
0xc7: {  	(tag) =	ssettag $0x2  }
0xc8: {  	s0 =	rddreg [dreg:$0x0];
	s2 =	stileid.u32  }
0xc9: {  	s1 =	rddreg [dreg:$0x1];
	p0 =	sne.s32 s2, $0x0  }
0xca: {  	s3 =	rddreg [dreg:$0x2];
	[bflag:$0x3] =	sbarrier.arrive $0xFFFF;
	s2 =	simm.s32 @!p0 $0x1C04  }
0xcb: {  	[timem:s3], [sflag:s2] =	dma.local @!p0 [hbm:s0], s1  }
0xcc: {  	s0 =	simm.s32 @!p0 $0x4  }
0xcd: {  	_ =	swait.ge @!p0 [sflag:s0], s1  }
0xce: {  	s1 =	ssub.s32 @!p0 $0x0, s1;
	[sflag:s0] =	ssyncset.done @!p0 $0x0  }
0xcf: {  	[sflag:s0] =	ssyncadd.s32 @!p0 s1  }
0xd0: {  	[bflag:$0x3] =	sbarrier.arrive $0xFFFF  }
0xd1: {  	_ =	shalt  }

// kernel: sparse-core-data-format-call.cloned.1.call-start
scs
called_computation_lowered:
.L_overlay_start_0:
0x0: {  	s2 =	sld [smem:$0x3FD9]  }
0x1: {  	s3 =	sld [smem:$0x3FFE];
	_ =	sdelay $0x1  }
0x2: {  	s1 =	srdreg.scid  }
0x3: {  	s0 =	sand.u32 $0x1, s1  }
0x4: {  	s15 =	sshll.u32 s0, $0xA;
	s2 =	sadd.s32 s3, s2  }
0x5: {  	s2 =	sadd.s32 s2, s15  }
0x6: {  	[smem:$0x3FC5] =	sst s2  }
0x7: {  	_ = 	snop  }
0x8: {  	s2 =	sld [smem:$0x3FD0];
	_ =	sdelay $0x2  }
0x9: {  	s16 =	simm.s32 $0xA;
	s4 =	simm.s32 $0x10  }
0xa: {  	[smem:s4], [sflag:s16] =	dma.local [hbm:s2], $0x1  }
0xb: {  	_ =	swait.eq [sflag:s16], $0x1  }
0xc: {  	[sflag:s16] =	ssyncset.done $0x0  }
0xd: {  	[sflag:s16] =	ssyncadd.s32 $0xFFFFFFFF  }
0xe: {  	s17 =	sld [smem:$0x10];
	(tm) =	ssettm $0x1  }
0xf: {  	s18 =	sld [smem:$0x3FFB];
	_ =	sdelay $0x3  }
0x10: {  	_ =	strace s18  }
0x11: {  	s3 =	sld [smem:$0x3FFC];
	_ =	sdelay $0x3  }
0x12: {  	_ =	strace s3  }
0x13: {  	s3 =	sld [smem:$0x3FFD];
	_ =	sdelay $0x3  }
0x14: {  	_ =	strace s3  }
0x15: {  	_ =	strace $0x8FFFFFFF  }
0x16: {  	s19 =	sld [smem:$0x3FDB];
	_ =	sdelay $0x1  }
0x17: {  	s20 =	simm.s32 $_scs_section_size  }
0x18: {  	s5 =	simm.s32 $_size__tile_overlayer_lowered;
	s6 =	simm.s32 $_tile_overlayer_lowered  }
0x19: {  	s23 =	simm.s32 $0x1BFF;
	s22 =	sshll.u32 s6, $0x1;
	s3 =	sadd.s32 s20, s19  }
0x1a: {  	s7 =	simm.s32 $0x0;
	s21 =	sshll.u32 s5, $0x1;
	s5 =	sadd.s32 s22, s3  }
0x1b: {  	[timem:s7], [sflag:s23] =	dma.local [hbm:s5], s21  }
0x1c: {  	_ =	swait.ge [sflag:s23], s21  }
0x1d: {  	s4 =	ssub.s32 $0x0, s21;
	[sflag:s23] =	ssyncset.done $0x0  }
0x1e: {  	[sflag:s23] =	ssyncadd.s32 s4;
	_ =	sdelay $0x1  }
0x1f: {  	s24 =	simm.s32 $0x1B8B  }
0x20: {  	_ =	swait.ge [sflag:s24], $0x1  }
0x21: {  	[sflag:s24] =	ssyncset.done $0x0  }
0x22: {  	s26 =	simm.s32 $0x1B8E;
	s25 =	sld [smem:$0x3FFE];
	[sflag:s24] =	ssyncadd.s32 $0xFFFFFFFF  }
0x23: {  	s27 =	simm.s32 $execute0_lowered;
	[smem:$0x3FD2] =	sst s26  }
0x24: {  	s5 =	sshll.u32 s27, $0x1;
	_ =	strace $0x80000049;
	[dreg:$0x1] =	wrdreg $0xFFFFFFFF  }
0x25: {  	s28 =	simm.s32 $_size_execute0_lowered;
	s3 =	sadd.s32 s3, s5;
	[dreg:$0x0] =	wrdreg $0x0  }
0x26: {  	s5 =	sshll.u32 s28, $0x1;
	[dreg:$0x2] =	wrdreg s3  }
0x27: {  	[dreg:$0x3] =	wrdreg s5  }
0x28: {  	[dreg:$0x4] =	wrdreg $0xC0  }
0x29: {  	_ =	task [dreg:s7], $0x5FFFF  }
0x2a: {  	[dreg:$0x1] =	wrdreg $0xFFFFFFFF  }
0x2b: {  	[dreg:$0x0] =	wrdreg $0x60  }
0x2c: {  	[dreg:$0x2] =	wrdreg s25  }
0x2d: {  	[dreg:$0x3] =	wrdreg s17  }
0x2e: {  	[dreg:$0x4] =	wrdreg $0x9  }
0x2f: {  	_ =	task.clear_ibuf [dreg:s7], $0x5FFFF;
	_ =	strace $0x90000049  }
0x30: {  	s29 =	simm.s32 $0x9;
	_ =	strace $0x8000004B  }
0x31: {  	_ =	swait.ge [sflag:s29], $0x1  }
0x32: {  	[sflag:s29] =	ssyncadd.s32 $0xFFFFFFFF  }
0x33: {  	_ =	strace $0x9000004B  }
0x34: {  	_ =	sfence  }
0x35: {  	s30 =	sld [smem:$0x0];
	_ =	sdelay $0x2  }
0x36: {  	s31 =	sshll.u32 s1, $0xD;
	s1 =	sshrl.u32 s1, $0x2  }
0x37: {  	s3 =	sand.u32 $0x4000, s31;
	s1 =	sadd.s32 s1, s30  }
0x38: {  	s0 =	sor.u32 s3, s0;
	s1 =	sshll.u32 s1, $0x11  }
0x39: {  	s0 =	sor.u32 s1, s0  }
0x3a: {  	s0 =	sadd.s32 $0x8F2B, s0  }
0x3b: {  	[sflag:s0] =	ssyncadd.remote.s32 $0x1  }
0x3c: {  	_ =	sfence.sel $0xFFFF  }
0x3d: {  	[dreg:$0x0] =	wrdreg $0xFFFFFFFF;
	(pc) =	sbr.abs _section_cstart, $3  }
0x3e: {  	[dreg:$0x1] =	wrdreg $0xFFFFFFFF  }
0x3f: {  	_ =	task.clear_ibuf [dreg:s7], $0x2FFFF;
	_ =	strace $0x9FFFFFFF  }
0x40: {  	(tm) =	ssettm $0x7FFFFFFF  }
0x41: {  	_ =	shalt  }
tec
execute0_lowered:
.L_overlay_start_1:
0x0: {  	(tag) =	ssettag $0x1  }
0x1: {  	s0 =	srdreg.scid  }
0x2: {  	s1 =	sshll.u32 s0, $0x4  }
0x3: {  	s0 =	stileid.u32;
	s1 =	sand.u32 $0x10, s1  }
0x4: {  	s1 =	sor.u32 s0, s1  }
0x5: {  	s6 =	rddreg [dreg:$0x0];
	s4 =	simm.s32 $0x1;
	s2 =	sshll.u32 s1, $0x7  }
0x6: {  	s7 =	simm.s32 $0x2;
	s12 =	simm.s32 $0x0;
	s1 =	ssub.s32 $0x1000, s2  }
0x7: {  	s8 =	simm.s32 $0x8000;
	s13 =	simm.s32 $0x0;
	s3 =	sand.u32 $0xF80, s1  }
0x8: {  	s9 =	simm.s32 $0x0;
	s5 =	sshrl.u32 s1, $0xC;
	p0 =	sne.s32 s3, $0x0  }
.Ltmp0:
0x9: {  	s1 =	rddreg [dreg:$0x2];
	s4 =	simm.s32 @!p0 $0x0;
	(pc) =	sbr.rel .LBB1_1-.Ltmp0, $4  }
0xa: {  	s11 =	simm.s32 $0x0;
	s3 =	rddreg [dreg:$0x1];
	s5 =	sadd.s32 s4, s5  }
0xb: {  	_ =	strace $0x8000004A;
	s4 =	simm.s32 $0x1;
	s5 =	smul.u32 $0xC8, s5  }
0xc: {  	s6 =	sadd.s32 $0xD44200, s6;
	s10 =	smov.u32 s2;
	[sflag:s4] =	ssyncpa.u1 $0x0  }
0xd: {  	p0 =	por $0x0, $0x0;
	[sflag:s7] =	ssyncpa.u1 $0x0;
	s7 =	sor.u32 $0x1, s5  }
.LBB1_4:
0xe: {  	s16 =	sshll.u32 s13, $0x3;
	s17 =	sand.u32 $0x78, s13  }
0xf: {  	s30 =	sand.u32 $0x7E00, s13;
	s12 =	sshll.u32 s12, $0xF;
	s16 =	sand.u32 $0xC00, s16  }
0x10: {  	[tilespmem:s15+$0x810 ss:$0x81] =	vst.msk $0xffff, v2;
	s31 =	sand.u32 $0x7, s13;
	s16 =	sor.u32 s17, s16;
	s17 =	sadd.s32 s3, s30  }
0x11: {  	[tilespmem:s15+$0x1020 ss:$0x81] =	vst.msk $0xffff, v0;
	s13 =	sshll.u32 s31, $0x12;
	s12 =	sadd.s32 s12, s17;
	s16 =	sshrl.u32 s16, $0x3  }
0x12: {  	[tilespmem:s15+$0x0 ss:$0x81] =	vst.msk $0xffff, v1;
	s13 =	sor.u32 $0x400, s13;
	s12 =	sadd.s32 s16, s12  }
0x13: {  	[hbm4b:s12+s13] =	stream.strided.scatter [tilespmem:s14], [sflag:$0x2], $0x2000, s8, s13, $0x20;
	[tilespmem:$0x8080] =	vst v63  }
.LBB1_5:
0x14: {  	s14 =	sadd.s32 $0x1, s9  }
0x15: {  	s12 =	sadd.s32 $0x1000, s10;
	s16 =	smov.u32 s10;
	p2 =	sgt.s32 s14, $0xC7  }
0x16: {  	s16 =	smov.u32 @p2 s12  }
0x17: {  	s14 =	simm.s32 @p2 $0x0;
	p2 =	sgt.s32 s16, $0xFFF  }
0x18: {  	s16 =	smov.u32 @p2 s2;
	p2 =	sne.s32 s11, s7  }
.Ltmp1:
0x19: {  	p1 =	slt.u32 s11, $0x2;
	(pc) =	sbr.rel @!p2 .LBB1_6-.Ltmp1, $4  }
0x1a: {  	s15 =	simm.s32 @!p1 $0x2  }
0x1b: {  	s13 =	smov.u32 s10;
	p0 =	por !p0, !p0;
	_ =	swait.ge @!p1 [sflag:s15], $0x2000  }
0x1c: {  	s12 =	smov.u32 s9;
	[sflag:s15] =	ssyncset.done @!p1 $0x0;
	s9 =	smov.u32 s14  }
0x1d: {  	s11 =	sadd.s32 $0x1, s11;
	[sflag:s15] =	ssyncadd.s32 @!p1 $0xFFFFE000;
	s10 =	smov.u32 s16  }
.LBB1_1:
0x1e: {  	p1 =	sge.u32 s11, s5  }
0x1f: {  	s14 =	sand.u32 @!p1 $0x1FFFFFF, s9  }
0x20: {  	s15 =	smulhi.u32 @!p1 $0x147AE15, s14;
	_ =	sdelay $0x1  }
0x21: {  	s15 =	smul.u32 @!p1 $0xC8, s15  }
0x22: {  	s16 =	sxor.u32 @!p1 $0xFFFFFFFF, s11;
	s17 =	smul.u32 @!p1 $0xC80, s10  }
0x23: {  	s31 =	sadd.s32 $0xFFFFFFFF, s11;
	s16 =	sshll.u32 @!p1 s16, $0xD;
	s14 =	ssub.s32 @!p1 s14, s15  }
0x24: {  	s15 =	sand.u32 @!p1 $0x2000, s16;
	s16 =	sadd.s32 @!p1 s6, s17;
	s14 =	sshll.u32 @!p1 s14, $0x4  }
0x25: {  	s17 =	simm.s32 @!p1 $0x6400;
	s14 =	sadd.s32 @!p1 s14, s16;
	s16 =	simm.s32 @!p1 $0x40  }
0x26: {  	[tilespmem:s15], [sflag:$0x1] =	stream.strided.gather @!p1 [hbm4b:s14+s16], $0x2000, s17, s16, $0x38;
	[tilespmem:$0x8080] =	vst v63  }
0x27: {  	p1 =	sge.u32 s31, s5  }
.Ltmp2:
0x28: {  	_ = 	snop;
	(pc) =	sbr.rel @p1 .LBB1_5-.Ltmp2, $1  }
0x29: {  	_ =	sdelay $0x3  }
0x2a: {  	s14 =	simm.s32 $0x1  }
0x2b: {  	_ =	swait.ge [sflag:s4], $0x2000;
	s14 =	simm.s32 @!p0 $0x0  }
0x2c: {  	[sflag:s4] =	ssyncset.done $0x0;
	s15 =	sshll.u32 s14, $0xD  }
0x2d: {  	[sflag:s4] =	ssyncadd.s32 $0xFFFFE000;
	s18 =	sor.u32 $0x20, s15  }
0x2e: {  	s14 =	smul.u32 $0x8100, s14;
	v3 =	vld [tilespmem:s18+$0x10]  }
0x2f: {  	s30 =	sand.u32 $0x1, s11;
	v2 =	vld [tilespmem:s18+$0xFFFFFFF0]  }
0x30: {  	s15 =	smul.u32 $0x8100, s30;
	s14 =	sshrl.u32 s14, $0x2;
	v0 =	vld [tilespmem:s18+$0x0]  }
0x31: {  	v1 =	vld [tilespmem:s18+$0xFFFFFFE0];
	s16 =	sor.u32 $0x4000, s14  }
0x32: {  	s31 =	sshrl.u32 s15, $0x2;
	s15 =	sadd.s32 $0x0, s16  }
0x33: {  	s17 =	simm.s32 $0x4;
	s18 =	sadd.s32 $0x40, s18;
	s14 =	sor.u32 $0x4000, s31;
	[tilespmem:s15+$0x1830 ss:$0x81] =	vst.msk $0xffff, v3  }
.LBB1_3:
0x34: {  	v3 =	vld [tilespmem:s18+$0x10];
	p1 =	sne.s32 s17, $0x1FC;
	[tilespmem:s15+$0x810 ss:$0x81] =	vst.msk $0xffff, v2;
	s19 =	smov.u32 s17;
	s17 =	sadd.s32 $0x4, s17  }
.Ltmp3:
0x35: {  	v2 =	vld [tilespmem:s18+$0xFFFFFFF0];
	[tilespmem:s15+$0x1020 ss:$0x81] =	vst.msk $0xffff, v0;
	(pc) =	sbr.rel @p1 .LBB1_3-.Ltmp3, $4  }
0x36: {  	v0 =	vld [tilespmem:s18+$0x0];
	[tilespmem:s15+$0x0 ss:$0x81] =	vst.msk $0xffff, v1  }
0x37: {  	s15 =	sshra.s32 s19, $0x2;
	v1 =	vld [tilespmem:s18+$0xFFFFFFE0]  }
0x38: {  	s15 =	sadd.s32 s15, s16  }
0x39: {  	s18 =	sadd.s32 $0x40, s18;
	[tilespmem:s15+$0x1830 ss:$0x81] =	vst.msk $0xffff, v3  }
.Ltmp4:
0x3a: {  	_ = 	snop;
	(pc) =	sbr.rel .LBB1_4-.Ltmp4, $1  }
0x3b: {  	_ =	sdelay $0x3  }
.LBB1_6:
0x3c: {  	_ =	sfence.sel $0x180000  }
0x3d: {  	s2 =	simm.s32 $0x1;
	[bflag:$0x0] =	sbarrier.arrive $0xFFFF  }
0x3e: {  	s31 =	simm.s32 $0x2;
	[sflag:s2] =	ssyncpa.u1 $0x1  }
0x3f: {  	[sflag:s31] =	ssyncpa.u1 $0x1  }
0x40: {  	p0 =	sne.s32 s0, $0x0;
	_ =	strace $0x9000004A  }
0x41: {  	s0 =	sadd.s32 @!p0 $0x100000, s1;
	[bflag:$0x2] =	sbarrier.arrive $0xFFFF  }
0x42: {  	[sflag:s0] =	ssyncadd.tile.s32 @!p0 $0x1;
	_ =	shalt  }
.Lfunc_end1:
_tile_overlayer_lowered:
.L_overlay_start_2:
0x43: {  	(tag) =	ssettag $0x2  }
0x44: {  	s0 =	rddreg [dreg:$0x0];
	s2 =	stileid.u32  }
0x45: {  	s1 =	rddreg [dreg:$0x1];
	p0 =	sne.s32 s2, $0x0  }
0x46: {  	s3 =	rddreg [dreg:$0x2];
	[bflag:$0x3] =	sbarrier.arrive $0xFFFF;
	s2 =	simm.s32 @!p0 $0x1C01  }
0x47: {  	[timem:s3], [sflag:s2] =	dma.local @!p0 [hbm:s0], s1  }
0x48: {  	s0 =	simm.s32 @!p0 $0x1  }
0x49: {  	_ =	swait.ge @!p0 [sflag:s0], s1  }
0x4a: {  	s1 =	ssub.s32 @!p0 $0x0, s1;
	[sflag:s0] =	ssyncset.done @!p0 $0x0  }
0x4b: {  	[sflag:s0] =	ssyncadd.s32 @!p0 s1  }
0x4c: {  	[bflag:$0x3] =	sbarrier.arrive $0xFFFF  }
0x4d: {  	_ =	shalt  }

</sc_bundles>
